<compile_context>
chip_gen: v7x
topology: tpu7x:2x2x1
jax: 0.10.2.dev20260603
libtpu: 0.0.44.dev20260713+nightly
codegen_flags: <defaults>
</compile_context>

<pallas_src>
import functools

import jax
import jax.numpy as jnp
from jax import lax
from jax.experimental import pallas as pl
from jax.experimental.pallas import tpu as pltpu
from jax.experimental.pallas import tpu_sc as plsc

VOCAB = 1000000
H = 64
C = 4
B = 16384
L = 50
N = B * L
NP = N // 2

NC = 2
NS = 16
NW = NC * NS
ROWS_PER_W = NP // NW
PCHUNK = 64
CHUNKS_PER_W = ROWS_PER_W // PCHUNK

BB = 2048
HALF = BB // 2
NCB = B // BB
PPB = HALF

TCB = 1024
TGRID = -(-(VOCAB + 1) // TCB)
VPAD = TGRID * TCB


def _pack_body(tt_ref, out_ref):
    x = tt_ref[...]
    out_ref[...] = jnp.concatenate(
        [x[:, :TCB // 2].T, x[:, TCB // 2:].T], axis=1)


def _tc_pack(tt):
    return pl.pallas_call(
        _pack_body,
        grid=(TGRID,),
        in_specs=[pl.BlockSpec((H, TCB), lambda g: (0, g))],
        out_specs=pl.BlockSpec((TCB // 2, 128), lambda g: (g, 0)),
        out_shape=jax.ShapeDtypeStruct((VPAD // 2, 128), jnp.float32),
    )(tt)


@functools.cache
def _make_sc_gather(chunks):
    mesh = plsc.VectorSubcoreMesh(core_axis_name="c", subcore_axis_name="s")
    rows_per_w = chunks * PCHUNK

    @functools.partial(
        pl.kernel,
        out_type=jax.ShapeDtypeStruct((NW * rows_per_w, 128), jnp.float32),
        mesh=mesh,
        scratch_types=[
            pltpu.VMEM((chunks, 2, PCHUNK), jnp.int32),
            pltpu.VMEM((PCHUNK, H), jnp.float32),
            pltpu.VMEM((PCHUNK, H), jnp.float32),
            pltpu.SemaphoreType.DMA,
        ],
        compiler_params=pltpu.CompilerParams(use_tc_tiling_on_sc=False),
    )
    def _sc_gather(ids_hbm, table_hbm, out_hbm, idx_v, lo_v, hi_v, sem):
        wid = lax.axis_index("s") * NC + lax.axis_index("c")
        pltpu.sync_copy(ids_hbm.at[wid], idx_v)
        base = wid * rows_per_w

        def step(j, carry):
            lo = pltpu.async_copy(table_hbm.at[idx_v.at[j, 0]], lo_v, sem)
            hi = pltpu.async_copy(table_hbm.at[idx_v.at[j, 1]], hi_v, sem)
            lo.wait()
            hi.wait()
            rows = pl.ds(base + j * PCHUNK, PCHUNK)
            pltpu.sync_copy(lo_v, out_hbm.at[rows, pl.ds(0, H)])
            pltpu.sync_copy(hi_v, out_hbm.at[rows, pl.ds(H, H)])
            return carry

        lax.fori_loop(0, chunks, step, 0)

    return _sc_gather


def _mm_body(gp_ref, ctx_ref, w1_ref, wct_ref, be_ref, out_ref):
    a = gp_ref[...]
    w1 = w1_ref[...]
    dn = (((1,), (1,)), ((), ()))
    r_lo = lax.dot_general(w1, a[:, :H], dn, preferred_element_type=jnp.float32)
    r_hi = lax.dot_general(w1, a[:, H:], dn, preferred_element_type=jnp.float32)
    rc = jnp.dot(wct_ref[...], ctx_ref[0], preferred_element_type=jnp.float32)
    acc = jnp.concatenate([r_lo, r_hi], axis=1) + rc + be_ref[...]
    out_ref[0] = acc


def _mm_body_acc(gp_ref, ctx_ref, w1_ref, wct_ref, be_ref, prev_ref, out_ref):
    del prev_ref
    _mm_body(gp_ref, ctx_ref, w1_ref, wct_ref, be_ref, out_ref)


def _tc_fused_part(gp, ctx_t, w1, wct_t, b_eff, l0, lcount, prev):
    common = dict(
        grid=(lcount, NCB),
        out_specs=pl.BlockSpec((1, H, BB), lambda l, c: (l + l0, 0, c)),
        out_shape=jax.ShapeDtypeStruct((L, H, B), jnp.float32),
    )
    in_specs = [
        pl.BlockSpec((PPB, 128), lambda l, c: (l * NCB + c, 0)),
        pl.BlockSpec((1, C, BB), lambda l, c: (l + l0, 0, c)),
        pl.BlockSpec((H, H), lambda l, c: (0, 0)),
        pl.BlockSpec((H, C), lambda l, c: (0, 0)),
        pl.BlockSpec((H, 1), lambda l, c: (0, 0)),
    ]
    if prev is None:
        return pl.pallas_call(_mm_body, in_specs=in_specs, **common)(
            gp, ctx_t, w1, wct_t, b_eff)
    return pl.pallas_call(
        _mm_body_acc,
        in_specs=in_specs + [pl.BlockSpec(memory_space=pl.ANY)],
        input_output_aliases={5: 0},
        **common,
    )(gp, ctx_t, w1, wct_t, b_eff, prev)


def kernel(item_ids, context_features, item_table, W_ctx, b_ctx, W_joint, b_joint):
    idt = item_ids.astype(jnp.int32).T
    g = idt // TCB
    u = idt % TCB
    idt = g * TCB + jnp.where(u < TCB // 2, 2 * u, 2 * (u - TCB // 2) + 1)
    pairs = idt.reshape(L, NCB, 2, HALF)
    pairs = pairs.transpose(0, 1, 3, 2)

    t_lin = _tc_pack(item_table.T).reshape(VPAD, H)

    W1 = W_joint[:, :H]
    W2 = W_joint[:, H:]
    wct_t = W2 @ W_ctx
    b_eff = (b_joint + W2 @ b_ctx).reshape(H, 1)
    ctx_t = context_features.transpose(1, 2, 0)

    S = 2
    LS = L // S
    chunks = LS * NCB * HALF // (NW * PCHUNK)
    sc_gather = _make_sc_gather(chunks)
    gps = []
    for s in range(S):
        ids4 = (pairs[s * LS:(s + 1) * LS]
                .reshape(NW, chunks, PCHUNK, 2).transpose(0, 1, 3, 2))
        gps.append(sc_gather(ids4, t_lin))
    out_t = None
    for s in range(S):
        out_t = _tc_fused_part(gps[s], ctx_t, W1, wct_t, b_eff,
                               s * LS, LS, out_t)
    return out_t.transpose(2, 0, 1)

# --- scband reference (transcript-rebuilt; emitter-appended) ---
"""Pipeline reference for scband-item-context-processor-31379031064678 (READ-ONLY COPY).

The authoritative reference and input builder live on the scoring server;
editing this copy changes nothing except your own understanding.
"""

import jax, jax.numpy as jnp
import numpy as np

VOCAB = 1000000
H = 64
C = 4
B = 16384
L = 50

def setup_inputs(seed: int = 0) -> dict:
    key = jax.random.key(seed)
    k1, k2, k3, k4, k5 = jax.random.split(key, 5)
    item_ids = jax.random.randint(k1, (B, L), 0, VOCAB + 1)
    context_features = jax.random.normal(k2, (B, L, C), dtype=jnp.float32)
    item_table = (jax.random.normal(k3, (VOCAB + 1, H), dtype=jnp.float32) * 0.01)
    item_table = item_table.at[0].set(0.0)  # padding_idx=0
    W_ctx = jax.random.normal(k4, (H, C), dtype=jnp.float32) * 0.01
    b_ctx = jnp.zeros((H,), dtype=jnp.float32)
    W_joint = jax.random.normal(k5, (H, 2 * H), dtype=jnp.float32) * 0.01
    b_joint = jnp.zeros((H,), dtype=jnp.float32)
    return {
        "item_ids": item_ids,
        "context_features": context_features,
        "item_table": item_table,
        "W_ctx": W_ctx,
        "b_ctx": b_ctx,
        "W_joint": W_joint,
        "b_joint": b_joint,
    }


def reference(item_ids, context_features, item_table, W_ctx, b_ctx, W_joint, b_joint):
    # nn.Embedding lookup (padding_idx row is zero in the table)
    item_emb = jnp.take(item_table, item_ids, axis=0)  # [B, L, H]
    # nn.Linear(context_size, hidden_size)
    context_emb = context_features @ W_ctx.T + b_ctx  # [B, L, H]
    joint = jnp.concatenate([item_emb, context_emb], axis=-1)  # [B, L, 2H]
    out = joint @ W_joint.T + b_joint  # [B, L, H]
    return out

if __name__ == "__main__":
    import jax
    _d = setup_inputs()
    print(jax.jit(kernel)(*tuple(_d.values())))

</pallas_src>

<mosaic_0001>
#map = affine_map<(d0, d1) -> (0, 0, 0, 0)>
#map1 = affine_map<(d0, d1) -> (0, 0)>
module attributes {stable_mosaic.version = 14 : i64} {
  func.func @_sc_gather(%arg0: i32, %arg1: i32, %arg2: memref<32x100x2x64xi32, #tpu.memory_space<hbm>>, %arg3: memref<1000448x64xf32, #tpu.memory_space<hbm>>, %arg4: memref<204800x128xf32, #tpu.memory_space<hbm>>, %arg5: memref<100x2x64xi32, #tpu.memory_space<vmem>>, %arg6: memref<64x64xf32, #tpu.memory_space<vmem>>, %arg7: memref<64x64xf32, #tpu.memory_space<vmem>>, %arg8: memref<!tpu.dma_semaphore, #tpu.memory_space<semaphore_mem>>) attributes {dimension_semantics = [#tpu.dimension_semantics<core_parallel>, #tpu.dimension_semantics<subcore_parallel>], iteration_bounds = array<i64: 2, 16>, scalar_prefetch = 0 : i64, scratch_operands = 4 : i64, tpu.core_type = #tpu.core_type<sc_vector_subcore>, window_params = [{transform_indices = #map}, {transform_indices = #map1}, {transform_indices = #map1}]} {
    %mul3A = arith.constant 2 : i32
    %mul3A_0 = arith.muli %arg1, %mul3A : i32
    %add3A = arith.addi %mul3A_0, %arg0 : i32
    "tpu.region"() ({
      %run_scoped3A = tpu.sem_alloc : memref<!tpu.dma_semaphore, #tpu.memory_space<semaphore_mem>>
      %dma_start3A = arith.constant 0 : i32
      %dma_start3A_8 = arith.constant 0 : i32
      %dma_start3A_9 = arith.constant 0 : i32
      %dma_start3A_10 = tpu.memref_slice %arg2[%add3A, %dma_start3A, %dma_start3A_8, %dma_start3A_9] : memref<32x100x2x64xi32, #tpu.memory_space<hbm>> -> memref<1x100x2x64xi32, #tpu.memory_space<hbm>>
      %dma_start3A_11 = tpu.memref_squeeze %dma_start3A_10 : memref<1x100x2x64xi32, #tpu.memory_space<hbm>> -> memref<100x2x64xi32, #tpu.memory_space<hbm>>
      %dma_start3A_12 = arith.constant 0 : i32
      %dma_start3A_13 = arith.constant 0 : i32
      %dma_start3A_14 = arith.constant 0 : i32
      %dma_start3A_15 = tpu.memref_slice %arg2[%add3A, %dma_start3A_12, %dma_start3A_13, %dma_start3A_14] : memref<32x100x2x64xi32, #tpu.memory_space<hbm>> -> memref<1x100x2x64xi32, #tpu.memory_space<hbm>>
      %dma_start3A_16 = tpu.memref_squeeze %dma_start3A_15 : memref<1x100x2x64xi32, #tpu.memory_space<hbm>> -> memref<100x2x64xi32, #tpu.memory_space<hbm>>
      tpu.enqueue_dma source(%dma_start3A_16 : memref<100x2x64xi32, #tpu.memory_space<hbm>>) target(%arg5 : memref<100x2x64xi32, #tpu.memory_space<vmem>>) target_semaphore(%run_scoped3A : memref<!tpu.dma_semaphore, #tpu.memory_space<semaphore_mem>>)
      %dma_wait3A = arith.constant 0 : i32
      %dma_wait3A_17 = arith.constant 0 : i32
      %dma_wait3A_18 = arith.constant 0 : i32
      %dma_wait3A_19 = tpu.memref_slice %arg2[%add3A, %dma_wait3A, %dma_wait3A_17, %dma_wait3A_18] : memref<32x100x2x64xi32, #tpu.memory_space<hbm>> -> memref<1x100x2x64xi32, #tpu.memory_space<hbm>>
      %dma_wait3A_20 = tpu.memref_squeeze %dma_wait3A_19 : memref<1x100x2x64xi32, #tpu.memory_space<hbm>> -> memref<100x2x64xi32, #tpu.memory_space<hbm>>
      %dma_wait3A_21 = arith.constant 0 : i32
      %dma_wait3A_22 = arith.constant 0 : i32
      %dma_wait3A_23 = arith.constant 0 : i32
      %dma_wait3A_24 = tpu.memref_slice %arg2[%add3A, %dma_wait3A_21, %dma_wait3A_22, %dma_wait3A_23] : memref<32x100x2x64xi32, #tpu.memory_space<hbm>> -> memref<1x100x2x64xi32, #tpu.memory_space<hbm>>
      %dma_wait3A_25 = tpu.memref_squeeze %dma_wait3A_24 : memref<1x100x2x64xi32, #tpu.memory_space<hbm>> -> memref<100x2x64xi32, #tpu.memory_space<hbm>>
      tpu.wait_dma2 semaphore(%run_scoped3A : memref<!tpu.dma_semaphore, #tpu.memory_space<semaphore_mem>>) src(%dma_wait3A_25 : memref<100x2x64xi32, #tpu.memory_space<hbm>>) dst(%arg5 : memref<100x2x64xi32, #tpu.memory_space<vmem>>)
      tpu.yield
    }) : () -> ()
    %mul3A_1 = arith.constant 6400 : i32
    %mul3A_2 = arith.muli %add3A, %mul3A_1 : i32
    %scan3A = arith.constant 0 : i32
    %scan3A_3 = arith.constant 0 : i32
    %scan3A_4 = arith.constant 100 : i32
    %scan3A_5 = arith.addi %scan3A_3, %scan3A_4 : i32
    %scan3A_6 = arith.constant 1 : i32
    scf.for %scan3A_8 = %scan3A_3 to %scan3A_5 step %scan3A_6  : i32 {
      %dma_start3A = arith.constant 0 : i32
      %dma_start3A_9 = arith.constant 0 : i32
      %dma_start3A_10 = tpu.memref_slice %arg5[%scan3A_8, %dma_start3A, %dma_start3A_9] : memref<100x2x64xi32, #tpu.memory_space<vmem>> -> memref<1x1x64xi32, #tpu.memory_space<vmem>>
      %dma_start3A_11 = tpu.memref_squeeze %dma_start3A_10 : memref<1x1x64xi32, #tpu.memory_space<vmem>> -> memref<64xi32, #tpu.memory_space<vmem>>
      %dma_start3A_12 = arith.constant 0 : i32
      %dma_start3A_13 = arith.constant 0 : i32
      %dma_start3A_14 = tpu.memref_slice %arg3[%dma_start3A_12, %dma_start3A_13] : memref<1000448x64xf32, #tpu.memory_space<hbm>> -> memref<1000448x64xf32, #tpu.memory_space<hbm>>
      tpu.enqueue_indirect_dma source(%dma_start3A_14 : memref<1000448x64xf32, #tpu.memory_space<hbm>>) target(%arg6 : memref<64x64xf32, #tpu.memory_space<vmem>>) offsets(%dma_start3A_11 : memref<64xi32, #tpu.memory_space<vmem>>) semaphore(%arg8 : memref<!tpu.dma_semaphore, #tpu.memory_space<semaphore_mem>>)
      %dma_start3A_15 = arith.constant 1 : i32
      %dma_start3A_16 = arith.constant 0 : i32
      %dma_start3A_17 = tpu.memref_slice %arg5[%scan3A_8, %dma_start3A_15, %dma_start3A_16] : memref<100x2x64xi32, #tpu.memory_space<vmem>> -> memref<1x1x64xi32, #tpu.memory_space<vmem>>
      %dma_start3A_18 = tpu.memref_squeeze %dma_start3A_17 : memref<1x1x64xi32, #tpu.memory_space<vmem>> -> memref<64xi32, #tpu.memory_space<vmem>>
      %dma_start3A_19 = arith.constant 0 : i32
      %dma_start3A_20 = arith.constant 0 : i32
      %dma_start3A_21 = tpu.memref_slice %arg3[%dma_start3A_19, %dma_start3A_20] : memref<1000448x64xf32, #tpu.memory_space<hbm>> -> memref<1000448x64xf32, #tpu.memory_space<hbm>>
      tpu.enqueue_indirect_dma source(%dma_start3A_21 : memref<1000448x64xf32, #tpu.memory_space<hbm>>) target(%arg7 : memref<64x64xf32, #tpu.memory_space<vmem>>) offsets(%dma_start3A_18 : memref<64xi32, #tpu.memory_space<vmem>>) semaphore(%arg8 : memref<!tpu.dma_semaphore, #tpu.memory_space<semaphore_mem>>)
      %dma_wait3A = arith.constant 0 : i32
      %dma_wait3A_22 = arith.constant 0 : i32
      %dma_wait3A_23 = tpu.memref_slice %arg5[%scan3A_8, %dma_wait3A, %dma_wait3A_22] : memref<100x2x64xi32, #tpu.memory_space<vmem>> -> memref<1x1x64xi32, #tpu.memory_space<vmem>>
      %dma_wait3A_24 = tpu.memref_squeeze %dma_wait3A_23 : memref<1x1x64xi32, #tpu.memory_space<vmem>> -> memref<64xi32, #tpu.memory_space<vmem>>
      %dma_wait3A_25 = arith.constant 0 : i32
      %dma_wait3A_26 = arith.constant 0 : i32
      %dma_wait3A_27 = tpu.memref_slice %arg3[%dma_wait3A_25, %dma_wait3A_26] : memref<1000448x64xf32, #tpu.memory_space<hbm>> -> memref<1000448x64xf32, #tpu.memory_space<hbm>>
      tpu.wait_indirect_dma semaphore(%arg8 : memref<!tpu.dma_semaphore, #tpu.memory_space<semaphore_mem>>) src(%dma_wait3A_27 : memref<1000448x64xf32, #tpu.memory_space<hbm>>) dst(%arg6 : memref<64x64xf32, #tpu.memory_space<vmem>>)
      %dma_wait3A_28 = arith.constant 1 : i32
      %dma_wait3A_29 = arith.constant 0 : i32
      %dma_wait3A_30 = tpu.memref_slice %arg5[%scan3A_8, %dma_wait3A_28, %dma_wait3A_29] : memref<100x2x64xi32, #tpu.memory_space<vmem>> -> memref<1x1x64xi32, #tpu.memory_space<vmem>>
      %dma_wait3A_31 = tpu.memref_squeeze %dma_wait3A_30 : memref<1x1x64xi32, #tpu.memory_space<vmem>> -> memref<64xi32, #tpu.memory_space<vmem>>
      %dma_wait3A_32 = arith.constant 0 : i32
      %dma_wait3A_33 = arith.constant 0 : i32
      %dma_wait3A_34 = tpu.memref_slice %arg3[%dma_wait3A_32, %dma_wait3A_33] : memref<1000448x64xf32, #tpu.memory_space<hbm>> -> memref<1000448x64xf32, #tpu.memory_space<hbm>>
      tpu.wait_indirect_dma semaphore(%arg8 : memref<!tpu.dma_semaphore, #tpu.memory_space<semaphore_mem>>) src(%dma_wait3A_34 : memref<1000448x64xf32, #tpu.memory_space<hbm>>) dst(%arg7 : memref<64x64xf32, #tpu.memory_space<vmem>>)
      %mul3A_35 = arith.constant 64 : i32
      %mul3A_36 = arith.muli %scan3A_8, %mul3A_35 : i32
      %add3A_37 = arith.addi %mul3A_2, %mul3A_36 : i32
      "tpu.region"() ({
        %run_scoped3A = tpu.sem_alloc : memref<!tpu.dma_semaphore, #tpu.memory_space<semaphore_mem>>
        %dma_start3A_38 = arith.constant 0 : i32
        %dma_start3A_39 = tpu.memref_slice %arg4[%add3A_37, %dma_start3A_38] : memref<204800x128xf32, #tpu.memory_space<hbm>> -> memref<64x64xf32, #tpu.memory_space<hbm>>
        %dma_start3A_40 = arith.constant 0 : i32
        %dma_start3A_41 = tpu.memref_slice %arg4[%add3A_37, %dma_start3A_40] : memref<204800x128xf32, #tpu.memory_space<hbm>> -> memref<64x64xf32, #tpu.memory_space<hbm>>
        tpu.enqueue_dma source(%arg6 : memref<64x64xf32, #tpu.memory_space<vmem>>) target(%dma_start3A_41 : memref<64x64xf32, #tpu.memory_space<hbm>>) target_semaphore(%run_scoped3A : memref<!tpu.dma_semaphore, #tpu.memory_space<semaphore_mem>>)
        %dma_wait3A_42 = arith.constant 0 : i32
        %dma_wait3A_43 = tpu.memref_slice %arg4[%add3A_37, %dma_wait3A_42] : memref<204800x128xf32, #tpu.memory_space<hbm>> -> memref<64x64xf32, #tpu.memory_space<hbm>>
        %dma_wait3A_44 = arith.constant 0 : i32
        %dma_wait3A_45 = tpu.memref_slice %arg4[%add3A_37, %dma_wait3A_44] : memref<204800x128xf32, #tpu.memory_space<hbm>> -> memref<64x64xf32, #tpu.memory_space<hbm>>
        tpu.wait_dma2 semaphore(%run_scoped3A : memref<!tpu.dma_semaphore, #tpu.memory_space<semaphore_mem>>) src(%arg6 : memref<64x64xf32, #tpu.memory_space<vmem>>) dst(%dma_wait3A_45 : memref<64x64xf32, #tpu.memory_space<hbm>>)
        tpu.yield
      }) : () -> ()
      "tpu.region"() ({
        %run_scoped3A = tpu.sem_alloc : memref<!tpu.dma_semaphore, #tpu.memory_space<semaphore_mem>>
        %dma_start3A_38 = arith.constant 64 : i32
        %dma_start3A_39 = tpu.memref_slice %arg4[%add3A_37, %dma_start3A_38] : memref<204800x128xf32, #tpu.memory_space<hbm>> -> memref<64x64xf32, #tpu.memory_space<hbm>>
        %dma_start3A_40 = arith.constant 64 : i32
        %dma_start3A_41 = tpu.memref_slice %arg4[%add3A_37, %dma_start3A_40] : memref<204800x128xf32, #tpu.memory_space<hbm>> -> memref<64x64xf32, #tpu.memory_space<hbm>>
        tpu.enqueue_dma source(%arg7 : memref<64x64xf32, #tpu.memory_space<vmem>>) target(%dma_start3A_41 : memref<64x64xf32, #tpu.memory_space<hbm>>) target_semaphore(%run_scoped3A : memref<!tpu.dma_semaphore, #tpu.memory_space<semaphore_mem>>)
        %dma_wait3A_42 = arith.constant 64 : i32
        %dma_wait3A_43 = tpu.memref_slice %arg4[%add3A_37, %dma_wait3A_42] : memref<204800x128xf32, #tpu.memory_space<hbm>> -> memref<64x64xf32, #tpu.memory_space<hbm>>
        %dma_wait3A_44 = arith.constant 64 : i32
        %dma_wait3A_45 = tpu.memref_slice %arg4[%add3A_37, %dma_wait3A_44] : memref<204800x128xf32, #tpu.memory_space<hbm>> -> memref<64x64xf32, #tpu.memory_space<hbm>>
        tpu.wait_dma2 semaphore(%run_scoped3A : memref<!tpu.dma_semaphore, #tpu.memory_space<semaphore_mem>>) src(%arg7 : memref<64x64xf32, #tpu.memory_space<vmem>>) dst(%dma_wait3A_45 : memref<64x64xf32, #tpu.memory_space<hbm>>)
        tpu.yield
      }) : () -> ()
    }
    %scan3A_7 = arith.constant 100 : i32
    return
  }
}

#map = affine_map<(d0, d1) -> (0, 0, 0, 0)>
#map1 = affine_map<(d0, d1) -> (0, 0)>
module attributes {stable_mosaic.version = 14 : i64} {
  func.func @_sc_gather(%arg0: i32, %arg1: i32, %arg2: memref<32x100x2x64xi32, #tpu.memory_space<hbm>>, %arg3: memref<1000448x64xf32, #tpu.memory_space<hbm>>, %arg4: memref<204800x128xf32, #tpu.memory_space<hbm>>, %arg5: memref<100x2x64xi32, #tpu.memory_space<vmem>>, %arg6: memref<64x64xf32, #tpu.memory_space<vmem>>, %arg7: memref<64x64xf32, #tpu.memory_space<vmem>>, %arg8: memref<!tpu.dma_semaphore, #tpu.memory_space<semaphore_mem>>) attributes {dimension_semantics = [#tpu.dimension_semantics<core_parallel>, #tpu.dimension_semantics<subcore_parallel>], iteration_bounds = array<i64: 2, 16>, scalar_prefetch = 0 : i64, scratch_operands = 4 : i64, tpu.core_type = #tpu.core_type<sc_vector_subcore>, window_params = [{transform_indices = #map}, {transform_indices = #map1}, {transform_indices = #map1}]} {
    %mul3A = arith.constant 2 : i32
    %mul3A_0 = arith.muli %arg1, %mul3A : i32
    %add3A = arith.addi %mul3A_0, %arg0 : i32
    "tpu.region"() ({
      %run_scoped3A = tpu.sem_alloc : memref<!tpu.dma_semaphore, #tpu.memory_space<semaphore_mem>>
      %dma_start3A = arith.constant 0 : i32
      %dma_start3A_8 = arith.constant 0 : i32
      %dma_start3A_9 = arith.constant 0 : i32
      %dma_start3A_10 = tpu.memref_slice %arg2[%add3A, %dma_start3A, %dma_start3A_8, %dma_start3A_9] : memref<32x100x2x64xi32, #tpu.memory_space<hbm>> -> memref<1x100x2x64xi32, #tpu.memory_space<hbm>>
      %dma_start3A_11 = tpu.memref_squeeze %dma_start3A_10 : memref<1x100x2x64xi32, #tpu.memory_space<hbm>> -> memref<100x2x64xi32, #tpu.memory_space<hbm>>
      %dma_start3A_12 = arith.constant 0 : i32
      %dma_start3A_13 = arith.constant 0 : i32
      %dma_start3A_14 = arith.constant 0 : i32
      %dma_start3A_15 = tpu.memref_slice %arg2[%add3A, %dma_start3A_12, %dma_start3A_13, %dma_start3A_14] : memref<32x100x2x64xi32, #tpu.memory_space<hbm>> -> memref<1x100x2x64xi32, #tpu.memory_space<hbm>>
      %dma_start3A_16 = tpu.memref_squeeze %dma_start3A_15 : memref<1x100x2x64xi32, #tpu.memory_space<hbm>> -> memref<100x2x64xi32, #tpu.memory_space<hbm>>
      tpu.enqueue_dma source(%dma_start3A_16 : memref<100x2x64xi32, #tpu.memory_space<hbm>>) target(%arg5 : memref<100x2x64xi32, #tpu.memory_space<vmem>>) target_semaphore(%run_scoped3A : memref<!tpu.dma_semaphore, #tpu.memory_space<semaphore_mem>>)
      %dma_wait3A = arith.constant 0 : i32
      %dma_wait3A_17 = arith.constant 0 : i32
      %dma_wait3A_18 = arith.constant 0 : i32
      %dma_wait3A_19 = tpu.memref_slice %arg2[%add3A, %dma_wait3A, %dma_wait3A_17, %dma_wait3A_18] : memref<32x100x2x64xi32, #tpu.memory_space<hbm>> -> memref<1x100x2x64xi32, #tpu.memory_space<hbm>>
      %dma_wait3A_20 = tpu.memref_squeeze %dma_wait3A_19 : memref<1x100x2x64xi32, #tpu.memory_space<hbm>> -> memref<100x2x64xi32, #tpu.memory_space<hbm>>
      %dma_wait3A_21 = arith.constant 0 : i32
      %dma_wait3A_22 = arith.constant 0 : i32
      %dma_wait3A_23 = arith.constant 0 : i32
      %dma_wait3A_24 = tpu.memref_slice %arg2[%add3A, %dma_wait3A_21, %dma_wait3A_22, %dma_wait3A_23] : memref<32x100x2x64xi32, #tpu.memory_space<hbm>> -> memref<1x100x2x64xi32, #tpu.memory_space<hbm>>
      %dma_wait3A_25 = tpu.memref_squeeze %dma_wait3A_24 : memref<1x100x2x64xi32, #tpu.memory_space<hbm>> -> memref<100x2x64xi32, #tpu.memory_space<hbm>>
      tpu.wait_dma2 semaphore(%run_scoped3A : memref<!tpu.dma_semaphore, #tpu.memory_space<semaphore_mem>>) src(%dma_wait3A_25 : memref<100x2x64xi32, #tpu.memory_space<hbm>>) dst(%arg5 : memref<100x2x64xi32, #tpu.memory_space<vmem>>)
      tpu.yield
    }) : () -> ()
    %mul3A_1 = arith.constant 6400 : i32
    %mul3A_2 = arith.muli %add3A, %mul3A_1 : i32
    %scan3A = arith.constant 0 : i32
    %scan3A_3 = arith.constant 0 : i32
    %scan3A_4 = arith.constant 100 : i32
    %scan3A_5 = arith.addi %scan3A_3, %scan3A_4 : i32
    %scan3A_6 = arith.constant 1 : i32
    scf.for %scan3A_8 = %scan3A_3 to %scan3A_5 step %scan3A_6  : i32 {
      %dma_start3A = arith.constant 0 : i32
      %dma_start3A_9 = arith.constant 0 : i32
      %dma_start3A_10 = tpu.memref_slice %arg5[%scan3A_8, %dma_start3A, %dma_start3A_9] : memref<100x2x64xi32, #tpu.memory_space<vmem>> -> memref<1x1x64xi32, #tpu.memory_space<vmem>>
      %dma_start3A_11 = tpu.memref_squeeze %dma_start3A_10 : memref<1x1x64xi32, #tpu.memory_space<vmem>> -> memref<64xi32, #tpu.memory_space<vmem>>
      %dma_start3A_12 = arith.constant 0 : i32
      %dma_start3A_13 = arith.constant 0 : i32
      %dma_start3A_14 = tpu.memref_slice %arg3[%dma_start3A_12, %dma_start3A_13] : memref<1000448x64xf32, #tpu.memory_space<hbm>> -> memref<1000448x64xf32, #tpu.memory_space<hbm>>
      tpu.enqueue_indirect_dma source(%dma_start3A_14 : memref<1000448x64xf32, #tpu.memory_space<hbm>>) target(%arg6 : memref<64x64xf32, #tpu.memory_space<vmem>>) offsets(%dma_start3A_11 : memref<64xi32, #tpu.memory_space<vmem>>) semaphore(%arg8 : memref<!tpu.dma_semaphore, #tpu.memory_space<semaphore_mem>>)
      %dma_start3A_15 = arith.constant 1 : i32
      %dma_start3A_16 = arith.constant 0 : i32
      %dma_start3A_17 = tpu.memref_slice %arg5[%scan3A_8, %dma_start3A_15, %dma_start3A_16] : memref<100x2x64xi32, #tpu.memory_space<vmem>> -> memref<1x1x64xi32, #tpu.memory_space<vmem>>
      %dma_start3A_18 = tpu.memref_squeeze %dma_start3A_17 : memref<1x1x64xi32, #tpu.memory_space<vmem>> -> memref<64xi32, #tpu.memory_space<vmem>>
      %dma_start3A_19 = arith.constant 0 : i32
      %dma_start3A_20 = arith.constant 0 : i32
      %dma_start3A_21 = tpu.memref_slice %arg3[%dma_start3A_19, %dma_start3A_20] : memref<1000448x64xf32, #tpu.memory_space<hbm>> -> memref<1000448x64xf32, #tpu.memory_space<hbm>>
      tpu.enqueue_indirect_dma source(%dma_start3A_21 : memref<1000448x64xf32, #tpu.memory_space<hbm>>) target(%arg7 : memref<64x64xf32, #tpu.memory_space<vmem>>) offsets(%dma_start3A_18 : memref<64xi32, #tpu.memory_space<vmem>>) semaphore(%arg8 : memref<!tpu.dma_semaphore, #tpu.memory_space<semaphore_mem>>)
      %dma_wait3A = arith.constant 0 : i32
      %dma_wait3A_22 = arith.constant 0 : i32
      %dma_wait3A_23 = tpu.memref_slice %arg5[%scan3A_8, %dma_wait3A, %dma_wait3A_22] : memref<100x2x64xi32, #tpu.memory_space<vmem>> -> memref<1x1x64xi32, #tpu.memory_space<vmem>>
      %dma_wait3A_24 = tpu.memref_squeeze %dma_wait3A_23 : memref<1x1x64xi32, #tpu.memory_space<vmem>> -> memref<64xi32, #tpu.memory_space<vmem>>
      %dma_wait3A_25 = arith.constant 0 : i32
      %dma_wait3A_26 = arith.constant 0 : i32
      %dma_wait3A_27 = tpu.memref_slice %arg3[%dma_wait3A_25, %dma_wait3A_26] : memref<1000448x64xf32, #tpu.memory_space<hbm>> -> memref<1000448x64xf32, #tpu.memory_space<hbm>>
      tpu.wait_indirect_dma semaphore(%arg8 : memref<!tpu.dma_semaphore, #tpu.memory_space<semaphore_mem>>) src(%dma_wait3A_27 : memref<1000448x64xf32, #tpu.memory_space<hbm>>) dst(%arg6 : memref<64x64xf32, #tpu.memory_space<vmem>>)
      %dma_wait3A_28 = arith.constant 1 : i32
      %dma_wait3A_29 = arith.constant 0 : i32
      %dma_wait3A_30 = tpu.memref_slice %arg5[%scan3A_8, %dma_wait3A_28, %dma_wait3A_29] : memref<100x2x64xi32, #tpu.memory_space<vmem>> -> memref<1x1x64xi32, #tpu.memory_space<vmem>>
      %dma_wait3A_31 = tpu.memref_squeeze %dma_wait3A_30 : memref<1x1x64xi32, #tpu.memory_space<vmem>> -> memref<64xi32, #tpu.memory_space<vmem>>
      %dma_wait3A_32 = arith.constant 0 : i32
      %dma_wait3A_33 = arith.constant 0 : i32
      %dma_wait3A_34 = tpu.memref_slice %arg3[%dma_wait3A_32, %dma_wait3A_33] : memref<1000448x64xf32, #tpu.memory_space<hbm>> -> memref<1000448x64xf32, #tpu.memory_space<hbm>>
      tpu.wait_indirect_dma semaphore(%arg8 : memref<!tpu.dma_semaphore, #tpu.memory_space<semaphore_mem>>) src(%dma_wait3A_34 : memref<1000448x64xf32, #tpu.memory_space<hbm>>) dst(%arg7 : memref<64x64xf32, #tpu.memory_space<vmem>>)
      %mul3A_35 = arith.constant 64 : i32
      %mul3A_36 = arith.muli %scan3A_8, %mul3A_35 : i32
      %add3A_37 = arith.addi %mul3A_2, %mul3A_36 : i32
      "tpu.region"() ({
        %run_scoped3A = tpu.sem_alloc : memref<!tpu.dma_semaphore, #tpu.memory_space<semaphore_mem>>
        %dma_start3A_38 = arith.constant 0 : i32
        %dma_start3A_39 = tpu.memref_slice %arg4[%add3A_37, %dma_start3A_38] : memref<204800x128xf32, #tpu.memory_space<hbm>> -> memref<64x64xf32, #tpu.memory_space<hbm>>
        %dma_start3A_40 = arith.constant 0 : i32
        %dma_start3A_41 = tpu.memref_slice %arg4[%add3A_37, %dma_start3A_40] : memref<204800x128xf32, #tpu.memory_space<hbm>> -> memref<64x64xf32, #tpu.memory_space<hbm>>
        tpu.enqueue_dma source(%arg6 : memref<64x64xf32, #tpu.memory_space<vmem>>) target(%dma_start3A_41 : memref<64x64xf32, #tpu.memory_space<hbm>>) target_semaphore(%run_scoped3A : memref<!tpu.dma_semaphore, #tpu.memory_space<semaphore_mem>>)
        %dma_wait3A_42 = arith.constant 0 : i32
        %dma_wait3A_43 = tpu.memref_slice %arg4[%add3A_37, %dma_wait3A_42] : memref<204800x128xf32, #tpu.memory_space<hbm>> -> memref<64x64xf32, #tpu.memory_space<hbm>>
        %dma_wait3A_44 = arith.constant 0 : i32
        %dma_wait3A_45 = tpu.memref_slice %arg4[%add3A_37, %dma_wait3A_44] : memref<204800x128xf32, #tpu.memory_space<hbm>> -> memref<64x64xf32, #tpu.memory_space<hbm>>
        tpu.wait_dma2 semaphore(%run_scoped3A : memref<!tpu.dma_semaphore, #tpu.memory_space<semaphore_mem>>) src(%arg6 : memref<64x64xf32, #tpu.memory_space<vmem>>) dst(%dma_wait3A_45 : memref<64x64xf32, #tpu.memory_space<hbm>>)
        tpu.yield
      }) : () -> ()
      "tpu.region"() ({
        %run_scoped3A = tpu.sem_alloc : memref<!tpu.dma_semaphore, #tpu.memory_space<semaphore_mem>>
        %dma_start3A_38 = arith.constant 64 : i32
        %dma_start3A_39 = tpu.memref_slice %arg4[%add3A_37, %dma_start3A_38] : memref<204800x128xf32, #tpu.memory_space<hbm>> -> memref<64x64xf32, #tpu.memory_space<hbm>>
        %dma_start3A_40 = arith.constant 64 : i32
        %dma_start3A_41 = tpu.memref_slice %arg4[%add3A_37, %dma_start3A_40] : memref<204800x128xf32, #tpu.memory_space<hbm>> -> memref<64x64xf32, #tpu.memory_space<hbm>>
        tpu.enqueue_dma source(%arg7 : memref<64x64xf32, #tpu.memory_space<vmem>>) target(%dma_start3A_41 : memref<64x64xf32, #tpu.memory_space<hbm>>) target_semaphore(%run_scoped3A : memref<!tpu.dma_semaphore, #tpu.memory_space<semaphore_mem>>)
        %dma_wait3A_42 = arith.constant 64 : i32
        %dma_wait3A_43 = tpu.memref_slice %arg4[%add3A_37, %dma_wait3A_42] : memref<204800x128xf32, #tpu.memory_space<hbm>> -> memref<64x64xf32, #tpu.memory_space<hbm>>
        %dma_wait3A_44 = arith.constant 64 : i32
        %dma_wait3A_45 = tpu.memref_slice %arg4[%add3A_37, %dma_wait3A_44] : memref<204800x128xf32, #tpu.memory_space<hbm>> -> memref<64x64xf32, #tpu.memory_space<hbm>>
        tpu.wait_dma2 semaphore(%run_scoped3A : memref<!tpu.dma_semaphore, #tpu.memory_space<semaphore_mem>>) src(%arg7 : memref<64x64xf32, #tpu.memory_space<vmem>>) dst(%dma_wait3A_45 : memref<64x64xf32, #tpu.memory_space<hbm>>)
        tpu.yield
      }) : () -> ()
    }
    %scan3A_7 = arith.constant 100 : i32
    return
  }
}

module attributes {stable_mosaic.version = 14 : i64} {
  func.func @_pack_body(%arg0: i32, %arg1: memref<64x1024xf32, #tpu.memory_space<vmem>>, %arg2: memref<512x128xf32, #tpu.memory_space<vmem>>) attributes {dimension_semantics = [#tpu.dimension_semantics<arbitrary>], iteration_bounds = array<i64: 977>, scalar_prefetch = 0 : i64, scratch_operands = 0 : i64, tpu.core_type = #tpu.core_type<tc>, window_params = [{transform_indices = @transform_0, window_bounds = array<i64: 64, 1024>}, {transform_indices = @transform_1, window_bounds = array<i64: 512, 128>}]} {
    %get3A = arith.constant 0 : index
    %get3A_0 = arith.constant 0 : index
    %get3A_1 = vector.load %arg1[%get3A, %get3A_0] : memref<64x1024xf32, #tpu.memory_space<vmem>>, vector<64x1024xf32>
    %slice3A = vector.extract_strided_slice %get3A_1 {offsets = [0, 0], sizes = [64, 512], strides = [1, 1]} : vector<64x1024xf32> to vector<64x512xf32>
    %transpose3A = tpu.transpose %slice3A, [1, 0] : vector<64x512xf32> -> vector<512x64xf32>
    %slice3A_2 = vector.extract_strided_slice %get3A_1 {offsets = [0, 512], sizes = [64, 512], strides = [1, 1]} : vector<64x1024xf32> to vector<64x512xf32>
    %transpose3A_3 = tpu.transpose %slice3A_2, [1, 0] : vector<64x512xf32> -> vector<512x64xf32>
    %concatenate3A = tpu.concatenate %transpose3A, %transpose3A_3 in 1 : vector<512x64xf32>, vector<512x64xf32> -> vector<512x128xf32>
    %swap3A = arith.constant 0 : index
    %swap3A_4 = arith.constant 0 : index
    %swap3A_5 = vector.load %arg2[%swap3A, %swap3A_4] : memref<512x128xf32, #tpu.memory_space<vmem>>, vector<512x128xf32>
    tpu.vector_store %arg2[%swap3A, %swap3A_4], %concatenate3A {strides = array<i32>} : memref<512x128xf32, #tpu.memory_space<vmem>>, vector<512x128xf32>,
    return
  }
  func.func @transform_0(%arg0: i32) -> (i32, i32) {
    %c0_i32 = arith.constant 0 : i32
    %c0_i32_0 = arith.constant 0 : i32
    return %c0_i32, %arg0 : i32, i32
  }
  func.func @transform_1(%arg0: i32) -> (i32, i32) {
    %c0_i32 = arith.constant 0 : i32
    %c0_i32_0 = arith.constant 0 : i32
    return %arg0, %c0_i32 : i32, i32
  }
}

module attributes {stable_mosaic.version = 14 : i64} {
  func.func @_mm_body(%arg0: i32, %arg1: i32, %arg2: memref<1024x128xf32, #tpu.memory_space<vmem>>, %arg3: memref<1x4x2048xf32, #tpu.memory_space<vmem>>, %arg4: memref<64x64xf32, #tpu.memory_space<vmem>>, %arg5: memref<64x4xf32, #tpu.memory_space<vmem>>, %arg6: memref<64x1xf32, #tpu.memory_space<vmem>>, %arg7: memref<1x64x2048xf32, #tpu.memory_space<vmem>>) attributes {dimension_semantics = [#tpu.dimension_semantics<arbitrary>, #tpu.dimension_semantics<arbitrary>], iteration_bounds = array<i64: 25, 8>, scalar_prefetch = 0 : i64, scratch_operands = 0 : i64, tpu.core_type = #tpu.core_type<tc>, window_params = [{transform_indices = @transform_0, window_bounds = array<i64: 1024, 128>}, {transform_indices = @transform_1, window_bounds = array<i64: 1, 4, 2048>}, {pipeline_mode = #tpu.pipeline_mode<synchronous>, transform_indices = @transform_2, window_bounds = array<i64: 64, 64>}, {pipeline_mode = #tpu.pipeline_mode<synchronous>, transform_indices = @transform_3, window_bounds = array<i64: 64, 4>}, {pipeline_mode = #tpu.pipeline_mode<synchronous>, transform_indices = @transform_4, window_bounds = array<i64: 64, 1>}, {transform_indices = @transform_5, window_bounds = array<i64: 1, 64, 2048>}]} {
    %get3A = arith.constant 0 : index
    %get3A_0 = arith.constant 0 : index
    %get3A_1 = vector.load %arg2[%get3A, %get3A_0] : memref<1024x128xf32, #tpu.memory_space<vmem>>, vector<1024x128xf32>
    %get3A_2 = arith.constant 0 : index
    %get3A_3 = arith.constant 0 : index
    %get3A_4 = vector.load %arg4[%get3A_2, %get3A_3] : memref<64x64xf32, #tpu.memory_space<vmem>>, vector<64x64xf32>
    %slice3A = vector.extract_strided_slice %get3A_1 {offsets = [0, 0], sizes = [1024, 64], strides = [1, 1]} : vector<1024x128xf32> to vector<1024x64xf32>
    %dot_general3A = arith.constant dense<0.000000e+00> : vector<64x1024xf32>
    %dot_general3A_5 = tpu.matmul %get3A_4, %slice3A, %dot_general3A {dimension_numbers = #tpu.dot_dimension_numbers<[1], [1], [0], [0], [0, 0, 1, 0], [], []>, transpose_lhs_hint = false} : vector<64x64xf32>, vector<1024x64xf32>, vector<64x1024xf32> -> vector<64x1024xf32>
    %slice3A_6 = vector.extract_strided_slice %get3A_1 {offsets = [0, 64], sizes = [1024, 64], strides = [1, 1]} : vector<1024x128xf32> to vector<1024x64xf32>
    %dot_general3A_7 = arith.constant dense<0.000000e+00> : vector<64x1024xf32>
    %dot_general3A_8 = tpu.matmul %get3A_4, %slice3A_6, %dot_general3A_7 {dimension_numbers = #tpu.dot_dimension_numbers<[1], [1], [0], [0], [0, 0, 1, 0], [], []>, transpose_lhs_hint = false} : vector<64x64xf32>, vector<1024x64xf32>, vector<64x1024xf32> -> vector<64x1024xf32>
    %get3A_9 = arith.constant 0 : index
    %get3A_10 = arith.constant 0 : index
    %get3A_11 = vector.load %arg5[%get3A_9, %get3A_10] : memref<64x4xf32, #tpu.memory_space<vmem>>, vector<64x4xf32>
    %get3A_12 = arith.constant 0 : index
    %get3A_13 = arith.constant 0 : index
    %get3A_14 = arith.constant 0 : index
    %get3A_15 = vector.load %arg3[%get3A_12, %get3A_13, %get3A_14] : memref<1x4x2048xf32, #tpu.memory_space<vmem>>, vector<1x4x2048xf32>
    %get3A_16 = vector.shape_cast %get3A_15 : vector<1x4x2048xf32> to vector<4x2048xf32>
    %dot_general3A_17 = arith.constant dense<0.000000e+00> : vector<64x2048xf32>
    %dot_general3A_18 = tpu.matmul %get3A_11, %get3A_16, %dot_general3A_17 {dimension_numbers = #tpu.dot_dimension_numbers<[1], [0], [0], [1], [0, 0, 1, 1], [], []>, transpose_lhs_hint = false} : vector<64x4xf32>, vector<4x2048xf32>, vector<64x2048xf32> -> vector<64x2048xf32>
    %concatenate3A = tpu.concatenate %dot_general3A_5, %dot_general3A_8 in 1 : vector<64x1024xf32>, vector<64x1024xf32> -> vector<64x2048xf32>
    %add3A = arith.addf %concatenate3A, %dot_general3A_18 : vector<64x2048xf32>
    %get3A_19 = arith.constant 0 : index
    %get3A_20 = arith.constant 0 : index
    %get3A_21 = vector.load %arg6[%get3A_19, %get3A_20] : memref<64x1xf32, #tpu.memory_space<vmem>>, vector<64x1xf32>
    %add3A_22 = vector.broadcast %get3A_21 : vector<64x1xf32> to vector<64x2048xf32>
    %add3A_23 = arith.addf %add3A, %add3A_22 : vector<64x2048xf32>
    %swap3A = arith.constant 0 : index
    %swap3A_24 = arith.constant 0 : index
    %swap3A_25 = arith.constant 0 : index
    %swap3A_26 = vector.load %arg7[%swap3A, %swap3A_24, %swap3A_25] : memref<1x64x2048xf32, #tpu.memory_space<vmem>>, vector<1x64x2048xf32>
    %swap3A_27 = vector.shape_cast %swap3A_26 : vector<1x64x2048xf32> to vector<64x2048xf32>
    %swap3A_28 = vector.shape_cast %add3A_23 : vector<64x2048xf32> to vector<1x64x2048xf32>
    tpu.vector_store %arg7[%swap3A, %swap3A_24, %swap3A_25], %swap3A_28 {strides = array<i32>} : memref<1x64x2048xf32, #tpu.memory_space<vmem>>, vector<1x64x2048xf32>,
    return
  }
  func.func @transform_0(%arg0: i32, %arg1: i32) -> (i32, i32) {
    %mul3A = arith.constant 8 : i32
    %mul3A_0 = arith.muli %arg0, %mul3A : i32
    %add3A = arith.addi %mul3A_0, %arg1 : i32
    %c0_i32 = arith.constant 0 : i32
    %c0_i32_1 = arith.constant 0 : i32
    return %add3A, %c0_i32 : i32, i32
  }
  func.func @transform_1(%arg0: i32, %arg1: i32) -> (i32, i32, i32) {
    %add3A = arith.constant 0 : i32
    %add3A_0 = arith.addi %arg0, %add3A : i32
    %c0_i32 = arith.constant 0 : i32
    %c0_i32_1 = arith.constant 0 : i32
    return %add3A_0, %c0_i32, %arg1 : i32, i32, i32
  }
  func.func @transform_2(%arg0: i32, %arg1: i32) -> (i32, i32) {
    %c0_i32 = arith.constant 0 : i32
    %c0_i32_0 = arith.constant 0 : i32
    %c0_i32_1 = arith.constant 0 : i32
    return %c0_i32, %c0_i32_0 : i32, i32
  }
  func.func @transform_3(%arg0: i32, %arg1: i32) -> (i32, i32) {
    %c0_i32 = arith.constant 0 : i32
    %c0_i32_0 = arith.constant 0 : i32
    %c0_i32_1 = arith.constant 0 : i32
    return %c0_i32, %c0_i32_0 : i32, i32
  }
  func.func @transform_4(%arg0: i32, %arg1: i32) -> (i32, i32) {
    %c0_i32 = arith.constant 0 : i32
    %c0_i32_0 = arith.constant 0 : i32
    %c0_i32_1 = arith.constant 0 : i32
    return %c0_i32, %c0_i32_0 : i32, i32
  }
  func.func @transform_5(%arg0: i32, %arg1: i32) -> (i32, i32, i32) {
    %add3A = arith.constant 0 : i32
    %add3A_0 = arith.addi %arg0, %add3A : i32
    %c0_i32 = arith.constant 0 : i32
    %c0_i32_1 = arith.constant 0 : i32
    return %add3A_0, %c0_i32, %arg1 : i32, i32, i32
  }
}

module attributes {stable_mosaic.version = 14 : i64} {
  func.func @_mm_body_acc(%arg0: i32, %arg1: i32, %arg2: memref<1024x128xf32, #tpu.memory_space<vmem>>, %arg3: memref<1x4x2048xf32, #tpu.memory_space<vmem>>, %arg4: memref<64x64xf32, #tpu.memory_space<vmem>>, %arg5: memref<64x4xf32, #tpu.memory_space<vmem>>, %arg6: memref<64x1xf32, #tpu.memory_space<vmem>>, %arg7: memref<50x64x16384xf32, #tpu.memory_space<any>>, %arg8: memref<1x64x2048xf32, #tpu.memory_space<vmem>>) attributes {dimension_semantics = [#tpu.dimension_semantics<arbitrary>, #tpu.dimension_semantics<arbitrary>], iteration_bounds = array<i64: 25, 8>, scalar_prefetch = 0 : i64, scratch_operands = 0 : i64, tpu.core_type = #tpu.core_type<tc>, window_params = [{transform_indices = @transform_0, window_bounds = array<i64: 1024, 128>}, {transform_indices = @transform_1, window_bounds = array<i64: 1, 4, 2048>}, {pipeline_mode = #tpu.pipeline_mode<synchronous>, transform_indices = @transform_2, window_bounds = array<i64: 64, 64>}, {pipeline_mode = #tpu.pipeline_mode<synchronous>, transform_indices = @transform_3, window_bounds = array<i64: 64, 4>}, {pipeline_mode = #tpu.pipeline_mode<synchronous>, transform_indices = @transform_4, window_bounds = array<i64: 64, 1>}, {}, {transform_indices = @transform_6, window_bounds = array<i64: 1, 64, 2048>}]} {
    %get3A = arith.constant 0 : index
    %get3A_0 = arith.constant 0 : index
    %get3A_1 = vector.load %arg2[%get3A, %get3A_0] : memref<1024x128xf32, #tpu.memory_space<vmem>>, vector<1024x128xf32>
    %get3A_2 = arith.constant 0 : index
    %get3A_3 = arith.constant 0 : index
    %get3A_4 = vector.load %arg4[%get3A_2, %get3A_3] : memref<64x64xf32, #tpu.memory_space<vmem>>, vector<64x64xf32>
    %slice3A = vector.extract_strided_slice %get3A_1 {offsets = [0, 0], sizes = [1024, 64], strides = [1, 1]} : vector<1024x128xf32> to vector<1024x64xf32>
    %dot_general3A = arith.constant dense<0.000000e+00> : vector<64x1024xf32>
    %dot_general3A_5 = tpu.matmul %get3A_4, %slice3A, %dot_general3A {dimension_numbers = #tpu.dot_dimension_numbers<[1], [1], [0], [0], [0, 0, 1, 0], [], []>, transpose_lhs_hint = false} : vector<64x64xf32>, vector<1024x64xf32>, vector<64x1024xf32> -> vector<64x1024xf32>
    %slice3A_6 = vector.extract_strided_slice %get3A_1 {offsets = [0, 64], sizes = [1024, 64], strides = [1, 1]} : vector<1024x128xf32> to vector<1024x64xf32>
    %dot_general3A_7 = arith.constant dense<0.000000e+00> : vector<64x1024xf32>
    %dot_general3A_8 = tpu.matmul %get3A_4, %slice3A_6, %dot_general3A_7 {dimension_numbers = #tpu.dot_dimension_numbers<[1], [1], [0], [0], [0, 0, 1, 0], [], []>, transpose_lhs_hint = false} : vector<64x64xf32>, vector<1024x64xf32>, vector<64x1024xf32> -> vector<64x1024xf32>
    %get3A_9 = arith.constant 0 : index
    %get3A_10 = arith.constant 0 : index
    %get3A_11 = vector.load %arg5[%get3A_9, %get3A_10] : memref<64x4xf32, #tpu.memory_space<vmem>>, vector<64x4xf32>
    %get3A_12 = arith.constant 0 : index
    %get3A_13 = arith.constant 0 : index
    %get3A_14 = arith.constant 0 : index
    %get3A_15 = vector.load %arg3[%get3A_12, %get3A_13, %get3A_14] : memref<1x4x2048xf32, #tpu.memory_space<vmem>>, vector<1x4x2048xf32>
    %get3A_16 = vector.shape_cast %get3A_15 : vector<1x4x2048xf32> to vector<4x2048xf32>
    %dot_general3A_17 = arith.constant dense<0.000000e+00> : vector<64x2048xf32>
    %dot_general3A_18 = tpu.matmul %get3A_11, %get3A_16, %dot_general3A_17 {dimension_numbers = #tpu.dot_dimension_numbers<[1], [0], [0], [1], [0, 0, 1, 1], [], []>, transpose_lhs_hint = false} : vector<64x4xf32>, vector<4x2048xf32>, vector<64x2048xf32> -> vector<64x2048xf32>
    %concatenate3A = tpu.concatenate %dot_general3A_5, %dot_general3A_8 in 1 : vector<64x1024xf32>, vector<64x1024xf32> -> vector<64x2048xf32>
    %add3A = arith.addf %concatenate3A, %dot_general3A_18 : vector<64x2048xf32>
    %get3A_19 = arith.constant 0 : index
    %get3A_20 = arith.constant 0 : index
    %get3A_21 = vector.load %arg6[%get3A_19, %get3A_20] : memref<64x1xf32, #tpu.memory_space<vmem>>, vector<64x1xf32>
    %add3A_22 = vector.broadcast %get3A_21 : vector<64x1xf32> to vector<64x2048xf32>
    %add3A_23 = arith.addf %add3A, %add3A_22 : vector<64x2048xf32>
    %swap3A = arith.constant 0 : index
    %swap3A_24 = arith.constant 0 : index
    %swap3A_25 = arith.constant 0 : index
    %swap3A_26 = vector.load %arg8[%swap3A, %swap3A_24, %swap3A_25] : memref<1x64x2048xf32, #tpu.memory_space<vmem>>, vector<1x64x2048xf32>
    %swap3A_27 = vector.shape_cast %swap3A_26 : vector<1x64x2048xf32> to vector<64x2048xf32>
    %swap3A_28 = vector.shape_cast %add3A_23 : vector<64x2048xf32> to vector<1x64x2048xf32>
    tpu.vector_store %arg8[%swap3A, %swap3A_24, %swap3A_25], %swap3A_28 {strides = array<i32>} : memref<1x64x2048xf32, #tpu.memory_space<vmem>>, vector<1x64x2048xf32>,
    return
  }
  func.func @transform_0(%arg0: i32, %arg1: i32) -> (i32, i32) {
    %mul3A = arith.constant 8 : i32
    %mul3A_0 = arith.muli %arg0, %mul3A : i32
    %add3A = arith.addi %mul3A_0, %arg1 : i32
    %c0_i32 = arith.constant 0 : i32
    %c0_i32_1 = arith.constant 0 : i32
    return %add3A, %c0_i32 : i32, i32
  }
  func.func @transform_1(%arg0: i32, %arg1: i32) -> (i32, i32, i32) {
    %add3A = arith.constant 25 : i32
    %add3A_0 = arith.addi %arg0, %add3A : i32
    %c0_i32 = arith.constant 0 : i32
    %c0_i32_1 = arith.constant 0 : i32
    return %add3A_0, %c0_i32, %arg1 : i32, i32, i32
  }
  func.func @transform_2(%arg0: i32, %arg1: i32) -> (i32, i32) {
    %c0_i32 = arith.constant 0 : i32
    %c0_i32_0 = arith.constant 0 : i32
    %c0_i32_1 = arith.constant 0 : i32
    return %c0_i32, %c0_i32_0 : i32, i32
  }
  func.func @transform_3(%arg0: i32, %arg1: i32) -> (i32, i32) {
    %c0_i32 = arith.constant 0 : i32
    %c0_i32_0 = arith.constant 0 : i32
    %c0_i32_1 = arith.constant 0 : i32
    return %c0_i32, %c0_i32_0 : i32, i32
  }
  func.func @transform_4(%arg0: i32, %arg1: i32) -> (i32, i32) {
    %c0_i32 = arith.constant 0 : i32
    %c0_i32_0 = arith.constant 0 : i32
    %c0_i32_1 = arith.constant 0 : i32
    return %c0_i32, %c0_i32_0 : i32, i32
  }
  func.func @transform_6(%arg0: i32, %arg1: i32) -> (i32, i32, i32) {
    %add3A = arith.constant 25 : i32
    %add3A_0 = arith.addi %arg0, %add3A : i32
    %c0_i32 = arith.constant 0 : i32
    %c0_i32_1 = arith.constant 0 : i32
    return %add3A_0, %c0_i32, %arg1 : i32, i32, i32
  }
}

</mosaic_0001>

<sc_bundles>
// kernel: kernel.10.cloned.1.call-start
scs
__scs_entry_jumppad:
0x0: {  	(pc) =	sbr.rel $0x88, $3  }
0x1: {  	(tag) =	ssettag $0x0;
	lr =	simm.s32 $0x1  }
0x2: {  	[smem:$0x3F9A] =	sst lr;
	_ =	strace $0xD0000000  }
0x3: {  	_ = 	snop  }
0x4: {  	_ = 	snop  }
0x5: {  	_ = 	snop  }
0x6: {  	_ = 	snop  }
0x7: {  	_ = 	snop  }
__scs_overlays_trampoline_lowered:
0x8: {  	[smem:$0x3FA9] =	sst s0  }
0x9: {  	[smem:$0x3FAA] =	sst s1  }
0xa: {  	[smem:$0x3FAB] =	sst s2  }
0xb: {  	[smem:$0x3FAC] =	sst s3  }
0xc: {  	[smem:$0x3FAD] =	sst s4  }
0xd: {  	[smem:$0x3FAE] =	sst s5  }
0xe: {  	[smem:$0x3FAF] =	sst s6  }
0xf: {  	[smem:$0x3FB0] =	sst s7  }
0x10: {  	[smem:$0x3FB1] =	sst s8  }
0x11: {  	[smem:$0x3FB2] =	sst s9;
	s0 =	simm.s32 @!p0 $0x0  }
0x12: {  	s1 =	sld [smem:$0x3F98];
	s0 =	simm.s32 @p0 $0x1  }
0x13: {  	[smem:$0x3FB3] =	sst s0;
	s0 =	simm.s32 @!p1 $0x0  }
0x14: {  	s2 =	sld [smem:$0x3F97];
	s0 =	simm.s32 @p1 $0x1  }
0x15: {  	[smem:$0x3FB4] =	sst s0;
	s0 =	simm.s32 @!p2 $0x0  }
0x16: {  	s3 =	sld [smem:$0x3FDB];
	s0 =	simm.s32 @p2 $0x1  }
0x17: {  	s4 =	simm.s32 $0x1BF5;
	[smem:$0x3FB6] =	sst s0  }
0x18: {  	s0 =	sld [smem:$0x3F99];
	_ =	swait.ge [sflag:s4], $0x0  }
0x19: {  	s7 =	sld [smem:$0x3F9A]  }
0x1a: {  	s8 =	sadd.s32 $0xFFFFE003, lr  }
0x1b: {  	s9 =	sadd.s32 $0xFFFFFEF7, lr;
	s5 =	simm.s32 $0xFFFFFFFF;
	p2 =	slt.u32 s8, $0xFFFFF086  }
0x1c: {  	p1 =	slt.u32 s9, $0xF7A;
	s5 =	simm.s32 @!p2 $0x0  }
0x1d: {  	s5 =	simm.s32 @p1 $0x1;
	p0 =	seq.s32 s7, s2  }
0x1e: {  	s7 =	smul.u32 @!p0 $0xF7A, s2;
	p2 =	seq.s32 @!p0 s5, $0x0  }
0x1f: {  	s9 =	smul.u32 $0xF7A, s1;
	s8 =	simm.s32 @!p0 $0x1BF5;
	p2 =	por !p2, p0  }
0x20: {  	[sflag:s8] =	ssyncset.s32 @!p0 $0xFFFFF086;
	s6 =	sadd.s32 @!p0 s3, s7;
	s7 =	simm.s32 @!p0 $0x108  }
0x21: {  	s3 =	sadd.s32 s3, s9;
	s6 =	sadd.s32 @!p0 $0x88, s6;
	s7 =	simm.s32 @p2 $0x1082  }
0x22: {  	[simem:s7], [sflag:s8] =	dma.local @!p0 [hbm:s6], $0xF7A  }
0x23: {  	s9 =	sor.u32 $0xD0000000, s2;
	s6 =	simm.s32 $0x108;
	_ =	swait.ge @!p0 [sflag:s8], $0x0  }
0x24: {  	s3 =	sadd.s32 $0x88, s3;
	s6 =	simm.s32 @!p1 $0x1082;
	[sflag:s4] =	ssyncset.s32 $0xFFFFF086  }
0x25: {  	[simem:s6], [sflag:s4] =	dma.local [hbm:s3], $0xF7A  }
0x26: {  	[smem:$0x3F9A] =	sst s1;
	(tag) =	ssettag s2;
	_ =	strace s9  }
0x27: {  	s1 =	sld [smem:$0x3FAA]  }
0x28: {  	s2 =	sld [smem:$0x3FAB]  }
0x29: {  	s4 =	sld [smem:$0x3FAD]  }
0x2a: {  	p0 =	seq.s32 s5, $0x0;
	s5 =	sld [smem:$0x3FAE]  }
0x2b: {  	s6 =	sld [smem:$0x3FAF]  }
0x2c: {  	s7 =	sld [smem:$0x3FB0]  }
0x2d: {  	s3 =	simm.s32 $0x108;
	s8 =	sld [smem:$0x3FB1]  }
0x2e: {  	s3 =	simm.s32 @!p0 $0x1082;
	s9 =	sld [smem:$0x3FB2]  }
0x2f: {  	lr =	sadd.s32 s0, s3;
	s0 =	sld [smem:$0x3FA9]  }
0x30: {  	s3 =	sld [smem:$0x3FAC]  }
0x31: {  	[smem:$0x3FB5] =	sst s10  }
0x32: {  	s10 =	sld [smem:$0x3FB3];
	_ =	sdelay $0x3  }
0x33: {  	p0 =	seq.s32 s10, $0x1;
	s10 =	sld [smem:$0x3FB5];
	_ =	sdelay $0x3  }
0x34: {  	[smem:$0x3FB5] =	sst s10  }
0x35: {  	s10 =	sld [smem:$0x3FB4];
	_ =	sdelay $0x3  }
0x36: {  	p1 =	seq.s32 s10, $0x1;
	s10 =	sld [smem:$0x3FB5];
	_ =	sdelay $0x3  }
0x37: {  	[smem:$0x3FB5] =	sst s10  }
0x38: {  	s10 =	sld [smem:$0x3FB6]  }
0x39: {  	_ = 	snop;
	(pc) =	sbr.ind lr, $3  }
0x3a: {  	_ = 	snop  }
0x3b: {  	_ = 	snop  }
0x3c: {  	p2 =	seq.s32 s10, $0x1;
	s10 =	sld [smem:$0x3FB5]  }
0x3d: {  	_ =	shalt  }
0x3e: {  	_ =	shalt  }
0x3f: {  	_ =	shalt  }
0x40: {  	_ =	shalt  }
0x41: {  	_ =	shalt  }
0x42: {  	_ =	shalt  }
0x43: {  	_ =	shalt  }
0x44: {  	_ =	shalt  }
0x45: {  	_ =	shalt  }
0x46: {  	_ =	shalt  }
0x47: {  	_ =	shalt  }
0x48: {  	_ =	shalt  }
0x49: {  	_ =	shalt  }
0x4a: {  	_ =	shalt  }
0x4b: {  	_ =	shalt  }
0x4c: {  	_ =	shalt  }
0x4d: {  	_ =	shalt  }
0x4e: {  	_ =	shalt  }
0x4f: {  	_ =	shalt  }
0x50: {  	_ =	shalt  }
0x51: {  	_ =	shalt  }
0x52: {  	_ =	shalt  }
0x53: {  	_ =	shalt  }
0x54: {  	_ =	shalt  }
0x55: {  	_ =	shalt  }
0x56: {  	_ =	shalt  }
0x57: {  	_ =	shalt  }
0x58: {  	_ =	shalt  }
0x59: {  	_ =	shalt  }
0x5a: {  	_ =	shalt  }
0x5b: {  	_ =	shalt  }
0x5c: {  	_ =	shalt  }
0x5d: {  	_ =	shalt  }
0x5e: {  	_ =	shalt  }
0x5f: {  	_ =	shalt  }
0x60: {  	_ =	shalt  }
0x61: {  	_ =	shalt  }
0x62: {  	_ =	shalt  }
0x63: {  	_ =	shalt  }
0x64: {  	_ =	shalt  }
0x65: {  	_ =	shalt  }
0x66: {  	_ =	shalt  }
0x67: {  	_ =	shalt  }
0x68: {  	_ =	shalt  }
0x69: {  	_ =	shalt  }
0x6a: {  	_ =	shalt  }
0x6b: {  	_ =	shalt  }
0x6c: {  	_ =	shalt  }
0x6d: {  	_ =	shalt  }
0x6e: {  	_ =	shalt  }
0x6f: {  	_ =	shalt  }
0x70: {  	_ =	shalt  }
0x71: {  	_ =	shalt  }
0x72: {  	_ =	shalt  }
0x73: {  	_ =	shalt  }
0x74: {  	_ =	shalt  }
0x75: {  	_ =	shalt  }
0x76: {  	_ =	shalt  }
0x77: {  	_ =	shalt  }
0x78: {  	_ =	shalt  }
0x79: {  	_ =	shalt  }
0x7a: {  	_ =	shalt  }
0x7b: {  	_ =	shalt  }
0x7c: {  	_ =	shalt  }
0x7d: {  	_ =	shalt  }
0x7e: {  	_ =	shalt  }
0x7f: {  	_ =	shalt  }
0x80: {  	_ =	shalt  }
0x81: {  	_ =	shalt  }
0x82: {  	_ =	shalt  }
0x83: {  	_ =	shalt  }
0x84: {  	_ =	shalt  }
0x85: {  	_ =	shalt  }
0x86: {  	_ =	shalt  }
0x87: {  	_ =	shalt  }
.Lfunc_end0:
.L_simem_size_0:
called_computation.1_lowered:
.L_overlay_start_0:
0x88: {  	s2 =	sld [smem:$0x3FD9]  }
0x89: {  	s3 =	sld [smem:$0x3FFE];
	_ =	sdelay $0x1  }
0x8a: {  	s1 =	srdreg.scid  }
0x8b: {  	s0 =	sand.u32 $0x1, s1  }
0x8c: {  	s17 =	sshll.u32 s0, $0xA;
	s2 =	sadd.s32 s3, s2  }
0x8d: {  	s2 =	sadd.s32 s2, s17  }
0x8e: {  	[smem:$0x3FC1] =	sst s2  }
0x8f: {  	_ = 	snop  }
0x90: {  	(tm) =	ssettm $0x1  }
0x91: {  	s18 =	sld [smem:$0x3FFB];
	_ =	sdelay $0x3  }
0x92: {  	_ =	strace s18  }
0x93: {  	s2 =	sld [smem:$0x3FFC];
	_ =	sdelay $0x3  }
0x94: {  	_ =	strace s2  }
0x95: {  	s2 =	sld [smem:$0x3FFD];
	_ =	sdelay $0x3  }
0x96: {  	_ =	strace s2  }
0x97: {  	_ =	strace $0x8FFFFFFF  }
0x98: {  	s19 =	sld [smem:$0x3FDB];
	_ =	sdelay $0x1  }
0x99: {  	s20 =	simm.s32 $_scs_section_size  }
0x9a: {  	s4 =	simm.s32 $_size__tile_overlayer_lowered;
	s5 =	simm.s32 $_tile_overlayer_lowered  }
0x9b: {  	s6 =	simm.s32 $0x1BFF;
	s21 =	sshll.u32 s5, $0x1;
	s3 =	sadd.s32 s20, s19  }
0x9c: {  	s22 =	simm.s32 $0x0;
	s4 =	sshll.u32 s4, $0x1;
	s5 =	sadd.s32 s21, s3  }
0x9d: {  	[timem:s22], [sflag:s6] =	dma.local [hbm:s5], s4  }
0x9e: {  	_ =	swait.ge [sflag:s6], s4  }
0x9f: {  	s4 =	ssub.s32 $0x0, s4;
	[sflag:s6] =	ssyncset.done $0x0  }
0xa0: {  	[sflag:s6] =	ssyncadd.s32 s4;
	_ =	sdelay $0x1  }
0xa1: {  	s23 =	simm.s32 $0x1B8B  }
0xa2: {  	_ =	swait.ge [sflag:s23], $0x1  }
0xa3: {  	[sflag:s23] =	ssyncset.done $0x0  }
0xa4: {  	[sflag:s23] =	ssyncadd.s32 $0xFFFFFFFF  }
0xa5: {  	s4 =	sld [smem:$0x0]  }
0xa6: {  	s5 =	sand.u32 $0xFFFFFFFE, s1  }
0xa7: {  	p0 =	sne.s32 s1, s5  }
0xa8: {  	s5 =	sshll.u32 @p0 s5, $0xE  }
0xa9: {  	s5 =	sadd.s32 @p0 $0x11B8D, s5;
	s6 =	sshll.u32 @p0 s4, $0x11  }
0xaa: {  	s5 =	sor.u32 @p0 s6, s5  }
0xab: {  	[sflag:s5] =	ssyncadd.remote.s32 @p0 $0x1;
	_ =	sdelay $0x1  }
0xac: {  	s5 =	simm.s32 @p0 $0x1B8D  }
0xad: {  	_ =	swait.eq @p0 [sflag:s5], $0x1  }
0xae: {  	[sflag:s5] =	ssyncadd.s32 @p0 $0xFFFFFFFF  }
0xaf: {  	s6 =	sshll.u32 @!p0 s1, $0xE  }
0xb0: {  	s6 =	sor.u32 @!p0 $0x4000, s6;
	s5 =	simm.s32 @!p0 $0x1B8D  }
0xb1: {  	s4 =	sshll.u32 @!p0 s4, $0x11;
	s6 =	sadd.s32 @!p0 $0x11B8D, s6;
	_ =	swait.eq @!p0 [sflag:s5], $0x1  }
0xb2: {  	s4 =	sor.u32 @!p0 s4, s6;
	[sflag:s5] =	ssyncadd.s32 @!p0 $0xFFFFFFFF  }
0xb3: {  	s25 =	simm.s32 $0x1B8E;
	s24 =	sld [smem:$0x3FFE];
	[sflag:s4] =	ssyncadd.remote.s32 @!p0 $0x1  }
0xb4: {  	s26 =	simm.s32 $execute0_lowered;
	[smem:$0x3FD2] =	sst s25  }
0xb5: {  	s5 =	sshll.u32 s26, $0x1;
	_ =	strace $0x80000049;
	[dreg:$0x1] =	wrdreg $0xFFFFFFFF  }
0xb6: {  	s28 =	simm.s32 $_size_execute0_lowered;
	s3 =	sadd.s32 s3, s5;
	[dreg:$0x0] =	wrdreg $0x0  }
0xb7: {  	s5 =	sshll.u32 s28, $0x1;
	[dreg:$0x2] =	wrdreg s3  }
0xb8: {  	[dreg:$0x3] =	wrdreg s5  }
0xb9: {  	[dreg:$0x4] =	wrdreg $0xC0  }
0xba: {  	_ =	task [dreg:s22], $0x5FFFF  }
0xbb: {  	[dreg:$0x1] =	wrdreg $0xFFFFFFFF  }
0xbc: {  	[dreg:$0x0] =	wrdreg $0x60  }
0xbd: {  	[dreg:$0x2] =	wrdreg s24  }
0xbe: {  	[dreg:$0x3] =	wrdreg $0xA  }
0xbf: {  	_ =	task.clear_ibuf [dreg:s22], $0x4FFFF;
	_ =	strace $0x90000049  }
0xc0: {  	s29 =	simm.s32 $0xA;
	_ =	strace $0x8000004B  }
0xc1: {  	_ =	swait.ge [sflag:s29], $0x1  }
0xc2: {  	[sflag:s29] =	ssyncadd.s32 $0xFFFFFFFF  }
0xc3: {  	_ =	strace $0x9000004B  }
0xc4: {  	_ =	sfence  }
0xc5: {  	s30 =	sld [smem:$0x0];
	_ =	sdelay $0x2  }
0xc6: {  	s31 =	sshll.u32 s1, $0xD;
	s1 =	sshrl.u32 s1, $0x2  }
0xc7: {  	s4 =	sand.u32 $0x4000, s31;
	s1 =	sadd.s32 s1, s30  }
0xc8: {  	s0 =	sor.u32 s4, s0;
	s1 =	sshll.u32 s1, $0x11  }
0xc9: {  	s0 =	sor.u32 s1, s0  }
0xca: {  	s0 =	sadd.s32 $0x8F2B, s0  }
0xcb: {  	[sflag:s0] =	ssyncadd.remote.s32 $0x1  }
0xcc: {  	_ =	sfence.sel $0xFFFF  }
0xcd: {  	[dreg:$0x0] =	wrdreg $0xFFFFFFFF;
	(pc) =	sbr.abs _section_cstart, $3  }
0xce: {  	[dreg:$0x1] =	wrdreg $0xFFFFFFFF  }
0xcf: {  	_ =	task.clear_ibuf [dreg:s22], $0x2FFFF;
	_ =	strace $0x9FFFFFFF  }
0xd0: {  	(tm) =	ssettm $0x7FFFFFFF  }
0xd1: {  	_ =	shalt  }
tec
execute0_lowered:
.L_overlay_start_1:
0x0: {  	(tag) =	ssettag $0x1  }
0x1: {  	s1 =	srdreg.scid  }
0x2: {  	s0 =	stileid.u32;
	s4 =	rddreg [dreg:$0x0];
	s2 =	simm.s32 $0x0  }
0x3: {  	s9 =	simm.s32 $0x3200;
	s10 =	simm.s32 $0x4200;
	s11 =	simm.s32 $0x1  }
0x4: {  	s12 =	simm.s32 $0x80;
	s13 =	simm.s32 $0x0;
	s3 =	sand.u32 $0x1, s1  }
0x5: {  	s30 =	sshll.u32 s0, $0x1;
	s6 =	smul.u32 $0x190000, s0;
	[smem:$0x7FF] =	sst s2  }
0x6: {  	s1 =	sor.u32 s3, s30;
	s7 =	smul.u32 $0xC8000, s3;
	s31 =	ssub.s32 $0x2, s3  }
0x7: {  	s3 =	sadd.s32 $0x1600, s4;
	s5 =	smul.u32 $0x640, s1;
	s1 =	rddreg [dreg:$0x1]  }
0x8: {  	_ =	strace $0x8000004A;
	s8 =	sshrl.u32 s31, $0x1;
	s6 =	sadd.s32 s7, s6  }
0x9: {  	s7 =	ssub.s32 s31, s8;
	s5 =	sadd.s32 s5, s4;
	s6 =	sshrl.u32 s6, $0x3  }
0xa: {  	s8 =	simm.s32 $0x40;
	s6 =	sadd.s32 s6, s4;
	s4 =	sadd.s32 $0xACFE00, s5  }
0xb: {  	s5 =	smax.u32 s7, $0x1;
	s7 =	simm.s32 $0x2;
	s6 =	sadd.s32 $0xADC608, s6  }
.LBB2_1:
0xc: {  	[tilespmem:s2], [sflag:$0x2] =	stream.linear.gather [hbm4b:s4+s2], $0x3200, $0x38;
	[tilespmem:$0x5200] =	vst v63  }
0xd: {  	_ =	swait.ge [sflag:s7], $0x3200  }
0xe: {  	[sflag:s7] =	ssyncset.done $0x0  }
0xf: {  	s14 =	simm.s32 $0x0;
	[sflag:s7] =	ssyncadd.s32 $0xFFFFCE00  }
0x10: {  	[tilespmem:s9], [sflag:$0x1] =	stream.indirect.gather [hbm4b:s3+s8], $0x40, s14, s8, $0xb8;
	[tilespmem:$0x5200] =	vst v63  }
0x11: {  	s30 =	simm.s32 $0x40  }
0x12: {  	[tilespmem:s10], [sflag:$0x1] =	stream.indirect.gather [hbm4b:s3+s8], $0x40, s30, s8, $0xb8;
	[tilespmem:$0x5200] =	vst v63  }
0x13: {  	_ =	swait.ge [sflag:s11], $0x1000  }
0x14: {  	[sflag:s11] =	ssyncset.done $0x0  }
0x15: {  	[sflag:s11] =	ssyncadd.s32 $0xFFFFF000  }
0x16: {  	_ =	swait.ge [sflag:s11], $0x1000  }
0x17: {  	[sflag:s11] =	ssyncset.done $0x0  }
0x18: {  	s31 =	sadd.s32 $0xFFFFFFF8, s6;
	[sflag:s11] =	ssyncadd.s32 $0xFFFFF000  }
0x19: {  	[hbm4b:s31+s8] =	stream.strided.scatter [tilespmem:s9], [sflag:$0x2], $0x1000, s12, s8, $0x38;
	[tilespmem:$0x5200] =	vst v63  }
0x1a: {  	_ =	swait.ge [sflag:s7], $0x1000  }
0x1b: {  	[sflag:s7] =	ssyncset.done $0x0  }
0x1c: {  	[sflag:s7] =	ssyncadd.s32 $0xFFFFF000  }
0x1d: {  	[hbm4b:s6+s8] =	stream.strided.scatter [tilespmem:s10], [sflag:$0x2], $0x1000, s12, s8, $0x38;
	[tilespmem:$0x5200] =	vst v63  }
0x1e: {  	s15 =	simm.s32 $0x200;
	_ =	swait.ge [sflag:s7], $0x1000  }
0x1f: {  	s16 =	simm.s32 $0x400;
	s14 =	sadd.s32 $0x400, s6;
	[sflag:s7] =	ssyncset.done $0x0  }
.LBB2_2:
0x20: {  	s17 =	sshra.s32 s15, $0x2  }
0x21: {  	[sflag:s7] =	ssyncadd.s32 $0xFFFFF000;
	s15 =	smov.u32 s16;
	s18 =	sadd.s32 $0x200, s16  }
0x22: {  	[tilespmem:s9], [sflag:$0x1] =	stream.indirect.gather [hbm4b:s3+s8], $0x40, s17, s8, $0xb8;
	[tilespmem:$0x5200] =	vst v63  }
0x23: {  	p0 =	sne.s32 s16, $0xC600;
	s16 =	sadd.s32 $0x40, s17  }
0x24: {  	[tilespmem:s10], [sflag:$0x1] =	stream.indirect.gather [hbm4b:s3+s8], $0x40, s16, s8, $0xb8;
	[tilespmem:$0x5200] =	vst v63  }
0x25: {  	_ =	swait.ge [sflag:s11], $0x1000  }
0x26: {  	[sflag:s11] =	ssyncset.done $0x0  }
0x27: {  	[sflag:s11] =	ssyncadd.s32 $0xFFFFF000  }
0x28: {  	_ =	swait.ge [sflag:s11], $0x1000  }
0x29: {  	[sflag:s11] =	ssyncset.done $0x0  }
0x2a: {  	s16 =	sadd.s32 $0xFFFFFFF8, s14;
	[sflag:s11] =	ssyncadd.s32 $0xFFFFF000  }
0x2b: {  	[hbm4b:s16+s8] =	stream.strided.scatter [tilespmem:s9], [sflag:$0x2], $0x1000, s12, s8, $0x38;
	[tilespmem:$0x5200] =	vst v63  }
0x2c: {  	_ =	swait.ge [sflag:s7], $0x1000  }
.Ltmp0:
0x2d: {  	[sflag:s7] =	ssyncset.done $0x0;
	(pc) =	sbr.rel @p0 .LBB2_2-.Ltmp0, $4  }
0x2e: {  	[sflag:s7] =	ssyncadd.s32 $0xFFFFF000  }
0x2f: {  	[hbm4b:s14+s8] =	stream.strided.scatter [tilespmem:s10], [sflag:$0x2], $0x1000, s12, s8, $0x38;
	[tilespmem:$0x5200] =	vst v63  }
0x30: {  	_ =	swait.ge [sflag:s7], $0x1000  }
0x31: {  	s16 =	smov.u32 s18;
	s14 =	sadd.s32 $0x400, s14;
	[sflag:s7] =	ssyncset.done $0x0  }
0x32: {  	s15 =	sshra.s32 s15, $0x2;
	[sflag:s7] =	ssyncadd.s32 $0xFFFFF000  }
0x33: {  	[tilespmem:s9], [sflag:$0x1] =	stream.indirect.gather [hbm4b:s3+s8], $0x40, s15, s8, $0xb8;
	[tilespmem:$0x5200] =	vst v63  }
0x34: {  	s15 =	sadd.s32 $0x40, s15  }
0x35: {  	[tilespmem:s10], [sflag:$0x1] =	stream.indirect.gather [hbm4b:s3+s8], $0x40, s15, s8, $0xb8;
	[tilespmem:$0x5200] =	vst v63  }
0x36: {  	_ =	swait.ge [sflag:s11], $0x1000  }
0x37: {  	[sflag:s11] =	ssyncset.done $0x0  }
0x38: {  	[sflag:s11] =	ssyncadd.s32 $0xFFFFF000  }
0x39: {  	_ =	swait.ge [sflag:s11], $0x1000  }
0x3a: {  	[sflag:s11] =	ssyncset.done $0x0  }
0x3b: {  	s31 =	sadd.s32 $0xFFFFFFF8, s14;
	[sflag:s11] =	ssyncadd.s32 $0xFFFFF000  }
0x3c: {  	[hbm4b:s31+s8] =	stream.strided.scatter [tilespmem:s9], [sflag:$0x2], $0x1000, s12, s8, $0x38;
	[tilespmem:$0x5200] =	vst v63  }
0x3d: {  	s13 =	sadd.s32 $0x1, s13;
	_ =	swait.ge [sflag:s7], $0x1000  }
0x3e: {  	p0 =	sne.s32 s13, s5;
	[sflag:s7] =	ssyncset.done $0x0  }
.Ltmp1:
0x3f: {  	[sflag:s7] =	ssyncadd.s32 $0xFFFFF000;
	(pc) =	sbr.rel @p0 .LBB2_1-.Ltmp1, $4  }
0x40: {  	[hbm4b:s14+s8] =	stream.strided.scatter [tilespmem:s10], [sflag:$0x2], $0x1000, s12, s8, $0x38;
	[tilespmem:$0x5200] =	vst v63  }
0x41: {  	_ =	swait.ge [sflag:s7], $0x1000  }
0x42: {  	[sflag:s7] =	ssyncset.done $0x0  }
0x43: {  	[sflag:s7] =	ssyncadd.s32 $0xFFFFF000  }
0x44: {  	_ =	sfence.sel $0x180000  }
0x45: {  	[bflag:$0x0] =	sbarrier.arrive $0xFFFF  }
0x46: {  	p0 =	sne.s32 s0, $0x0;
	_ =	strace $0x9000004A  }
0x47: {  	s0 =	sadd.s32 @!p0 $0x100000, s1;
	[bflag:$0x2] =	sbarrier.arrive $0xFFFF  }
0x48: {  	[sflag:s0] =	ssyncadd.tile.s32 @!p0 $0x1;
	_ =	shalt  }
.Lfunc_end2:
_tile_overlayer_lowered:
.L_overlay_start_2:
0x49: {  	(tag) =	ssettag $0x2  }
0x4a: {  	s0 =	rddreg [dreg:$0x0];
	s2 =	stileid.u32  }
0x4b: {  	s1 =	rddreg [dreg:$0x1];
	p0 =	sne.s32 s2, $0x0  }
0x4c: {  	s3 =	rddreg [dreg:$0x2];
	[bflag:$0x3] =	sbarrier.arrive $0xFFFF;
	s2 =	simm.s32 @!p0 $0x1C02  }
0x4d: {  	[timem:s3], [sflag:s2] =	dma.local @!p0 [hbm:s0], s1  }
0x4e: {  	s0 =	simm.s32 @!p0 $0x2  }
0x4f: {  	_ =	swait.ge @!p0 [sflag:s0], s1  }
0x50: {  	s1 =	ssub.s32 @!p0 $0x0, s1;
	[sflag:s0] =	ssyncset.done @!p0 $0x0  }
0x51: {  	[sflag:s0] =	ssyncadd.s32 @!p0 s1  }
0x52: {  	[bflag:$0x3] =	sbarrier.arrive $0xFFFF  }
0x53: {  	_ =	shalt  }

// kernel: kernel.7.cloned.1.call-start
scs
__scs_entry_jumppad:
0x0: {  	(pc) =	sbr.rel $0x88, $3  }
0x1: {  	(tag) =	ssettag $0x0;
	lr =	simm.s32 $0x1  }
0x2: {  	[smem:$0x3F9A] =	sst lr;
	_ =	strace $0xD0000000  }
0x3: {  	_ = 	snop  }
0x4: {  	_ = 	snop  }
0x5: {  	_ = 	snop  }
0x6: {  	_ = 	snop  }
0x7: {  	_ = 	snop  }
__scs_overlays_trampoline_lowered:
0x8: {  	[smem:$0x3FA9] =	sst s0  }
0x9: {  	[smem:$0x3FAA] =	sst s1  }
0xa: {  	[smem:$0x3FAB] =	sst s2  }
0xb: {  	[smem:$0x3FAC] =	sst s3  }
0xc: {  	[smem:$0x3FAD] =	sst s4  }
0xd: {  	[smem:$0x3FAE] =	sst s5  }
0xe: {  	[smem:$0x3FAF] =	sst s6  }
0xf: {  	[smem:$0x3FB0] =	sst s7  }
0x10: {  	[smem:$0x3FB1] =	sst s8  }
0x11: {  	[smem:$0x3FB2] =	sst s9;
	s0 =	simm.s32 @!p0 $0x0  }
0x12: {  	s1 =	sld [smem:$0x3F98];
	s0 =	simm.s32 @p0 $0x1  }
0x13: {  	[smem:$0x3FB3] =	sst s0;
	s0 =	simm.s32 @!p1 $0x0  }
0x14: {  	s2 =	sld [smem:$0x3F97];
	s0 =	simm.s32 @p1 $0x1  }
0x15: {  	[smem:$0x3FB4] =	sst s0;
	s0 =	simm.s32 @!p2 $0x0  }
0x16: {  	s3 =	sld [smem:$0x3FDB];
	s0 =	simm.s32 @p2 $0x1  }
0x17: {  	s4 =	simm.s32 $0x1BF5;
	[smem:$0x3FB6] =	sst s0  }
0x18: {  	s0 =	sld [smem:$0x3F99];
	_ =	swait.ge [sflag:s4], $0x0  }
0x19: {  	s7 =	sld [smem:$0x3F9A]  }
0x1a: {  	s8 =	sadd.s32 $0xFFFFE003, lr  }
0x1b: {  	s9 =	sadd.s32 $0xFFFFFEF7, lr;
	s5 =	simm.s32 $0xFFFFFFFF;
	p2 =	slt.u32 s8, $0xFFFFF086  }
0x1c: {  	p1 =	slt.u32 s9, $0xF7A;
	s5 =	simm.s32 @!p2 $0x0  }
0x1d: {  	s5 =	simm.s32 @p1 $0x1;
	p0 =	seq.s32 s7, s2  }
0x1e: {  	s7 =	smul.u32 @!p0 $0xF7A, s2;
	p2 =	seq.s32 @!p0 s5, $0x0  }
0x1f: {  	s9 =	smul.u32 $0xF7A, s1;
	s8 =	simm.s32 @!p0 $0x1BF5;
	p2 =	por !p2, p0  }
0x20: {  	[sflag:s8] =	ssyncset.s32 @!p0 $0xFFFFF086;
	s6 =	sadd.s32 @!p0 s3, s7;
	s7 =	simm.s32 @!p0 $0x108  }
0x21: {  	s3 =	sadd.s32 s3, s9;
	s6 =	sadd.s32 @!p0 $0x88, s6;
	s7 =	simm.s32 @p2 $0x1082  }
0x22: {  	[simem:s7], [sflag:s8] =	dma.local @!p0 [hbm:s6], $0xF7A  }
0x23: {  	s9 =	sor.u32 $0xD0000000, s2;
	s6 =	simm.s32 $0x108;
	_ =	swait.ge @!p0 [sflag:s8], $0x0  }
0x24: {  	s3 =	sadd.s32 $0x88, s3;
	s6 =	simm.s32 @!p1 $0x1082;
	[sflag:s4] =	ssyncset.s32 $0xFFFFF086  }
0x25: {  	[simem:s6], [sflag:s4] =	dma.local [hbm:s3], $0xF7A  }
0x26: {  	[smem:$0x3F9A] =	sst s1;
	(tag) =	ssettag s2;
	_ =	strace s9  }
0x27: {  	s1 =	sld [smem:$0x3FAA]  }
0x28: {  	s2 =	sld [smem:$0x3FAB]  }
0x29: {  	s4 =	sld [smem:$0x3FAD]  }
0x2a: {  	p0 =	seq.s32 s5, $0x0;
	s5 =	sld [smem:$0x3FAE]  }
0x2b: {  	s6 =	sld [smem:$0x3FAF]  }
0x2c: {  	s7 =	sld [smem:$0x3FB0]  }
0x2d: {  	s3 =	simm.s32 $0x108;
	s8 =	sld [smem:$0x3FB1]  }
0x2e: {  	s3 =	simm.s32 @!p0 $0x1082;
	s9 =	sld [smem:$0x3FB2]  }
0x2f: {  	lr =	sadd.s32 s0, s3;
	s0 =	sld [smem:$0x3FA9]  }
0x30: {  	s3 =	sld [smem:$0x3FAC]  }
0x31: {  	[smem:$0x3FB5] =	sst s10  }
0x32: {  	s10 =	sld [smem:$0x3FB3];
	_ =	sdelay $0x3  }
0x33: {  	p0 =	seq.s32 s10, $0x1;
	s10 =	sld [smem:$0x3FB5];
	_ =	sdelay $0x3  }
0x34: {  	[smem:$0x3FB5] =	sst s10  }
0x35: {  	s10 =	sld [smem:$0x3FB4];
	_ =	sdelay $0x3  }
0x36: {  	p1 =	seq.s32 s10, $0x1;
	s10 =	sld [smem:$0x3FB5];
	_ =	sdelay $0x3  }
0x37: {  	[smem:$0x3FB5] =	sst s10  }
0x38: {  	s10 =	sld [smem:$0x3FB6]  }
0x39: {  	_ = 	snop;
	(pc) =	sbr.ind lr, $3  }
0x3a: {  	_ = 	snop  }
0x3b: {  	_ = 	snop  }
0x3c: {  	p2 =	seq.s32 s10, $0x1;
	s10 =	sld [smem:$0x3FB5]  }
0x3d: {  	_ =	shalt  }
0x3e: {  	_ =	shalt  }
0x3f: {  	_ =	shalt  }
0x40: {  	_ =	shalt  }
0x41: {  	_ =	shalt  }
0x42: {  	_ =	shalt  }
0x43: {  	_ =	shalt  }
0x44: {  	_ =	shalt  }
0x45: {  	_ =	shalt  }
0x46: {  	_ =	shalt  }
0x47: {  	_ =	shalt  }
0x48: {  	_ =	shalt  }
0x49: {  	_ =	shalt  }
0x4a: {  	_ =	shalt  }
0x4b: {  	_ =	shalt  }
0x4c: {  	_ =	shalt  }
0x4d: {  	_ =	shalt  }
0x4e: {  	_ =	shalt  }
0x4f: {  	_ =	shalt  }
0x50: {  	_ =	shalt  }
0x51: {  	_ =	shalt  }
0x52: {  	_ =	shalt  }
0x53: {  	_ =	shalt  }
0x54: {  	_ =	shalt  }
0x55: {  	_ =	shalt  }
0x56: {  	_ =	shalt  }
0x57: {  	_ =	shalt  }
0x58: {  	_ =	shalt  }
0x59: {  	_ =	shalt  }
0x5a: {  	_ =	shalt  }
0x5b: {  	_ =	shalt  }
0x5c: {  	_ =	shalt  }
0x5d: {  	_ =	shalt  }
0x5e: {  	_ =	shalt  }
0x5f: {  	_ =	shalt  }
0x60: {  	_ =	shalt  }
0x61: {  	_ =	shalt  }
0x62: {  	_ =	shalt  }
0x63: {  	_ =	shalt  }
0x64: {  	_ =	shalt  }
0x65: {  	_ =	shalt  }
0x66: {  	_ =	shalt  }
0x67: {  	_ =	shalt  }
0x68: {  	_ =	shalt  }
0x69: {  	_ =	shalt  }
0x6a: {  	_ =	shalt  }
0x6b: {  	_ =	shalt  }
0x6c: {  	_ =	shalt  }
0x6d: {  	_ =	shalt  }
0x6e: {  	_ =	shalt  }
0x6f: {  	_ =	shalt  }
0x70: {  	_ =	shalt  }
0x71: {  	_ =	shalt  }
0x72: {  	_ =	shalt  }
0x73: {  	_ =	shalt  }
0x74: {  	_ =	shalt  }
0x75: {  	_ =	shalt  }
0x76: {  	_ =	shalt  }
0x77: {  	_ =	shalt  }
0x78: {  	_ =	shalt  }
0x79: {  	_ =	shalt  }
0x7a: {  	_ =	shalt  }
0x7b: {  	_ =	shalt  }
0x7c: {  	_ =	shalt  }
0x7d: {  	_ =	shalt  }
0x7e: {  	_ =	shalt  }
0x7f: {  	_ =	shalt  }
0x80: {  	_ =	shalt  }
0x81: {  	_ =	shalt  }
0x82: {  	_ =	shalt  }
0x83: {  	_ =	shalt  }
0x84: {  	_ =	shalt  }
0x85: {  	_ =	shalt  }
0x86: {  	_ =	shalt  }
0x87: {  	_ =	shalt  }
.Lfunc_end0:
.L_simem_size_0:
called_computation_lowered:
.L_overlay_start_0:
0x88: {  	s2 =	sld [smem:$0x3FD9]  }
0x89: {  	s3 =	sld [smem:$0x3FFE];
	_ =	sdelay $0x1  }
0x8a: {  	s1 =	srdreg.scid  }
0x8b: {  	s0 =	sand.u32 $0x1, s1  }
0x8c: {  	s16 =	sshll.u32 s0, $0xA;
	s2 =	sadd.s32 s3, s2  }
0x8d: {  	s2 =	sadd.s32 s2, s16  }
0x8e: {  	[smem:$0x3FC1] =	sst s2  }
0x8f: {  	_ = 	snop  }
0x90: {  	(tm) =	ssettm $0x1  }
0x91: {  	s17 =	sld [smem:$0x3FFB];
	_ =	sdelay $0x3  }
0x92: {  	_ =	strace s17  }
0x93: {  	s2 =	sld [smem:$0x3FFC];
	_ =	sdelay $0x3  }
0x94: {  	_ =	strace s2  }
0x95: {  	s2 =	sld [smem:$0x3FFD];
	_ =	sdelay $0x3  }
0x96: {  	_ =	strace s2  }
0x97: {  	_ =	strace $0x8FFFFFFF  }
0x98: {  	s18 =	sld [smem:$0x3FDB];
	_ =	sdelay $0x1  }
0x99: {  	s19 =	simm.s32 $_scs_section_size  }
0x9a: {  	s4 =	simm.s32 $_size__tile_overlayer_lowered;
	s5 =	simm.s32 $_tile_overlayer_lowered  }
0x9b: {  	s22 =	simm.s32 $0x1BFF;
	s21 =	sshll.u32 s5, $0x1;
	s2 =	sadd.s32 s19, s18  }
0x9c: {  	s6 =	simm.s32 $0x0;
	s20 =	sshll.u32 s4, $0x1;
	s4 =	sadd.s32 s21, s2  }
0x9d: {  	[timem:s6], [sflag:s22] =	dma.local [hbm:s4], s20  }
0x9e: {  	_ =	swait.ge [sflag:s22], s20  }
0x9f: {  	s3 =	ssub.s32 $0x0, s20;
	[sflag:s22] =	ssyncset.done $0x0  }
0xa0: {  	[sflag:s22] =	ssyncadd.s32 s3;
	_ =	sdelay $0x1  }
0xa1: {  	s23 =	simm.s32 $0x1B8B  }
0xa2: {  	_ =	swait.ge [sflag:s23], $0x1  }
0xa3: {  	[sflag:s23] =	ssyncset.done $0x0  }
0xa4: {  	s25 =	simm.s32 $0x1B8E;
	s24 =	sld [smem:$0x3FFE];
	[sflag:s23] =	ssyncadd.s32 $0xFFFFFFFF  }
0xa5: {  	s26 =	simm.s32 $execute0_lowered;
	[smem:$0x3FD2] =	sst s25  }
0xa6: {  	s4 =	sshll.u32 s26, $0x1;
	_ =	strace $0x80000046;
	[dreg:$0x1] =	wrdreg $0xFFFFFFFF  }
0xa7: {  	s28 =	simm.s32 $_size_execute0_lowered;
	s2 =	sadd.s32 s2, s4;
	[dreg:$0x0] =	wrdreg $0x0  }
0xa8: {  	s4 =	sshll.u32 s28, $0x1;
	[dreg:$0x2] =	wrdreg s2  }
0xa9: {  	[dreg:$0x3] =	wrdreg s4  }
0xaa: {  	[dreg:$0x4] =	wrdreg $0xC0  }
0xab: {  	_ =	task [dreg:s6], $0x5FFFF  }
0xac: {  	[dreg:$0x1] =	wrdreg $0xFFFFFFFF  }
0xad: {  	[dreg:$0x0] =	wrdreg $0x60  }
0xae: {  	[dreg:$0x2] =	wrdreg s24  }
0xaf: {  	[dreg:$0x3] =	wrdreg $0x9  }
0xb0: {  	_ =	task.clear_ibuf [dreg:s6], $0x4FFFF;
	_ =	strace $0x90000046  }
0xb1: {  	s29 =	simm.s32 $0x9;
	_ =	strace $0x80000048  }
0xb2: {  	_ =	swait.ge [sflag:s29], $0x1  }
0xb3: {  	[sflag:s29] =	ssyncadd.s32 $0xFFFFFFFF  }
0xb4: {  	_ =	strace $0x90000048  }
0xb5: {  	_ =	sfence  }
0xb6: {  	s30 =	sld [smem:$0x0];
	_ =	sdelay $0x2  }
0xb7: {  	s31 =	sshll.u32 s1, $0xD;
	s1 =	sshrl.u32 s1, $0x2  }
0xb8: {  	s3 =	sand.u32 $0x4000, s31;
	s1 =	sadd.s32 s1, s30  }
0xb9: {  	s0 =	sor.u32 s3, s0;
	s1 =	sshll.u32 s1, $0x11  }
0xba: {  	s0 =	sor.u32 s1, s0  }
0xbb: {  	s0 =	sadd.s32 $0x8F2B, s0  }
0xbc: {  	[sflag:s0] =	ssyncadd.remote.s32 $0x1  }
0xbd: {  	_ =	sfence.sel $0xFFFF  }
0xbe: {  	[dreg:$0x0] =	wrdreg $0xFFFFFFFF;
	(pc) =	sbr.abs _section_cstart, $3  }
0xbf: {  	[dreg:$0x1] =	wrdreg $0xFFFFFFFF  }
0xc0: {  	_ =	task.clear_ibuf [dreg:s6], $0x2FFFF;
	_ =	strace $0x9FFFFFFF  }
0xc1: {  	(tm) =	ssettm $0x7FFFFFFF  }
tec
execute0_lowered:
.L_overlay_start_1:
0x0: {  	(tag) =	ssettag $0x1  }
0x1: {  	s1 =	srdreg.scid  }
0x2: {  	s0 =	stileid.u32;
	s4 =	rddreg [dreg:$0x0];
	s2 =	simm.s32 $0x0  }
0x3: {  	s9 =	simm.s32 $0x3200;
	s10 =	simm.s32 $0x4200;
	s11 =	simm.s32 $0x1  }
0x4: {  	s12 =	simm.s32 $0x80;
	s13 =	simm.s32 $0x0;
	s3 =	sand.u32 $0x1, s1  }
0x5: {  	s30 =	sshll.u32 s0, $0x1;
	s6 =	smul.u32 $0x190000, s0;
	[smem:$0x7FF] =	sst s2  }
0x6: {  	s1 =	sor.u32 s3, s30;
	s7 =	smul.u32 $0xC8000, s3;
	s31 =	ssub.s32 $0x2, s3  }
0x7: {  	s3 =	sadd.s32 $0x1600, s4;
	s5 =	smul.u32 $0x640, s1;
	s1 =	rddreg [dreg:$0x1]  }
0x8: {  	_ =	strace $0x80000047;
	s8 =	sshrl.u32 s31, $0x1;
	s6 =	sadd.s32 s7, s6  }
0x9: {  	s7 =	ssub.s32 s31, s8;
	s5 =	sadd.s32 s5, s4;
	s6 =	sshrl.u32 s6, $0x3  }
0xa: {  	s8 =	simm.s32 $0x40;
	s6 =	sadd.s32 s6, s4;
	s4 =	sadd.s32 $0x7A3600, s5  }
0xb: {  	s5 =	smax.u32 s7, $0x1;
	s7 =	simm.s32 $0x2;
	s6 =	sadd.s32 $0x7AFE08, s6  }
.LBB2_1:
0xc: {  	[tilespmem:s2], [sflag:$0x2] =	stream.linear.gather [hbm4b:s4+s2], $0x3200, $0x38;
	[tilespmem:$0x5200] =	vst v63  }
0xd: {  	_ =	swait.ge [sflag:s7], $0x3200  }
0xe: {  	[sflag:s7] =	ssyncset.done $0x0  }
0xf: {  	s14 =	simm.s32 $0x0;
	[sflag:s7] =	ssyncadd.s32 $0xFFFFCE00  }
0x10: {  	[tilespmem:s9], [sflag:$0x1] =	stream.indirect.gather [hbm4b:s3+s8], $0x40, s14, s8, $0xb8;
	[tilespmem:$0x5200] =	vst v63  }
0x11: {  	s30 =	simm.s32 $0x40  }
0x12: {  	[tilespmem:s10], [sflag:$0x1] =	stream.indirect.gather [hbm4b:s3+s8], $0x40, s30, s8, $0xb8;
	[tilespmem:$0x5200] =	vst v63  }
0x13: {  	_ =	swait.ge [sflag:s11], $0x1000  }
0x14: {  	[sflag:s11] =	ssyncset.done $0x0  }
0x15: {  	[sflag:s11] =	ssyncadd.s32 $0xFFFFF000  }
0x16: {  	_ =	swait.ge [sflag:s11], $0x1000  }
0x17: {  	[sflag:s11] =	ssyncset.done $0x0  }
0x18: {  	s31 =	sadd.s32 $0xFFFFFFF8, s6;
	[sflag:s11] =	ssyncadd.s32 $0xFFFFF000  }
0x19: {  	[hbm4b:s31+s8] =	stream.strided.scatter [tilespmem:s9], [sflag:$0x2], $0x1000, s12, s8, $0x38;
	[tilespmem:$0x5200] =	vst v63  }
0x1a: {  	_ =	swait.ge [sflag:s7], $0x1000  }
0x1b: {  	[sflag:s7] =	ssyncset.done $0x0  }
0x1c: {  	[sflag:s7] =	ssyncadd.s32 $0xFFFFF000  }
0x1d: {  	[hbm4b:s6+s8] =	stream.strided.scatter [tilespmem:s10], [sflag:$0x2], $0x1000, s12, s8, $0x38;
	[tilespmem:$0x5200] =	vst v63  }
0x1e: {  	s15 =	simm.s32 $0x200;
	_ =	swait.ge [sflag:s7], $0x1000  }
0x1f: {  	s16 =	simm.s32 $0x400;
	s14 =	sadd.s32 $0x400, s6;
	[sflag:s7] =	ssyncset.done $0x0  }
.LBB2_2:
0x20: {  	s17 =	sshra.s32 s15, $0x2  }
0x21: {  	[sflag:s7] =	ssyncadd.s32 $0xFFFFF000;
	s15 =	smov.u32 s16;
	s18 =	sadd.s32 $0x200, s16  }
0x22: {  	[tilespmem:s9], [sflag:$0x1] =	stream.indirect.gather [hbm4b:s3+s8], $0x40, s17, s8, $0xb8;
	[tilespmem:$0x5200] =	vst v63  }
0x23: {  	p0 =	sne.s32 s16, $0xC600;
	s16 =	sadd.s32 $0x40, s17  }
0x24: {  	[tilespmem:s10], [sflag:$0x1] =	stream.indirect.gather [hbm4b:s3+s8], $0x40, s16, s8, $0xb8;
	[tilespmem:$0x5200] =	vst v63  }
0x25: {  	_ =	swait.ge [sflag:s11], $0x1000  }
0x26: {  	[sflag:s11] =	ssyncset.done $0x0  }
0x27: {  	[sflag:s11] =	ssyncadd.s32 $0xFFFFF000  }
0x28: {  	_ =	swait.ge [sflag:s11], $0x1000  }
0x29: {  	[sflag:s11] =	ssyncset.done $0x0  }
0x2a: {  	s16 =	sadd.s32 $0xFFFFFFF8, s14;
	[sflag:s11] =	ssyncadd.s32 $0xFFFFF000  }
0x2b: {  	[hbm4b:s16+s8] =	stream.strided.scatter [tilespmem:s9], [sflag:$0x2], $0x1000, s12, s8, $0x38;
	[tilespmem:$0x5200] =	vst v63  }
0x2c: {  	_ =	swait.ge [sflag:s7], $0x1000  }
.Ltmp0:
0x2d: {  	[sflag:s7] =	ssyncset.done $0x0;
	(pc) =	sbr.rel @p0 .LBB2_2-.Ltmp0, $4  }
0x2e: {  	[sflag:s7] =	ssyncadd.s32 $0xFFFFF000  }
0x2f: {  	[hbm4b:s14+s8] =	stream.strided.scatter [tilespmem:s10], [sflag:$0x2], $0x1000, s12, s8, $0x38;
	[tilespmem:$0x5200] =	vst v63  }
0x30: {  	_ =	swait.ge [sflag:s7], $0x1000  }
0x31: {  	s16 =	smov.u32 s18;
	s14 =	sadd.s32 $0x400, s14;
	[sflag:s7] =	ssyncset.done $0x0  }
0x32: {  	s15 =	sshra.s32 s15, $0x2;
	[sflag:s7] =	ssyncadd.s32 $0xFFFFF000  }
0x33: {  	[tilespmem:s9], [sflag:$0x1] =	stream.indirect.gather [hbm4b:s3+s8], $0x40, s15, s8, $0xb8;
	[tilespmem:$0x5200] =	vst v63  }
0x34: {  	s15 =	sadd.s32 $0x40, s15  }
0x35: {  	[tilespmem:s10], [sflag:$0x1] =	stream.indirect.gather [hbm4b:s3+s8], $0x40, s15, s8, $0xb8;
	[tilespmem:$0x5200] =	vst v63  }
0x36: {  	_ =	swait.ge [sflag:s11], $0x1000  }
0x37: {  	[sflag:s11] =	ssyncset.done $0x0  }
0x38: {  	[sflag:s11] =	ssyncadd.s32 $0xFFFFF000  }
0x39: {  	_ =	swait.ge [sflag:s11], $0x1000  }
0x3a: {  	[sflag:s11] =	ssyncset.done $0x0  }
0x3b: {  	s31 =	sadd.s32 $0xFFFFFFF8, s14;
	[sflag:s11] =	ssyncadd.s32 $0xFFFFF000  }
0x3c: {  	[hbm4b:s31+s8] =	stream.strided.scatter [tilespmem:s9], [sflag:$0x2], $0x1000, s12, s8, $0x38;
	[tilespmem:$0x5200] =	vst v63  }
0x3d: {  	s13 =	sadd.s32 $0x1, s13;
	_ =	swait.ge [sflag:s7], $0x1000  }
0x3e: {  	p0 =	sne.s32 s13, s5;
	[sflag:s7] =	ssyncset.done $0x0  }
.Ltmp1:
0x3f: {  	[sflag:s7] =	ssyncadd.s32 $0xFFFFF000;
	(pc) =	sbr.rel @p0 .LBB2_1-.Ltmp1, $4  }
0x40: {  	[hbm4b:s14+s8] =	stream.strided.scatter [tilespmem:s10], [sflag:$0x2], $0x1000, s12, s8, $0x38;
	[tilespmem:$0x5200] =	vst v63  }
0x41: {  	_ =	swait.ge [sflag:s7], $0x1000  }
0x42: {  	[sflag:s7] =	ssyncset.done $0x0  }
0x43: {  	[sflag:s7] =	ssyncadd.s32 $0xFFFFF000  }
0x44: {  	_ =	sfence.sel $0x180000  }
0x45: {  	[bflag:$0x0] =	sbarrier.arrive $0xFFFF  }
0x46: {  	p0 =	sne.s32 s0, $0x0;
	_ =	strace $0x90000047  }
0x47: {  	s0 =	sadd.s32 @!p0 $0x100000, s1;
	[bflag:$0x2] =	sbarrier.arrive $0xFFFF  }
0x48: {  	[sflag:s0] =	ssyncadd.tile.s32 @!p0 $0x1;
	_ =	shalt  }
.Lfunc_end2:
_tile_overlayer_lowered:
.L_overlay_start_2:
0x49: {  	(tag) =	ssettag $0x2  }
0x4a: {  	s0 =	rddreg [dreg:$0x0];
	s2 =	stileid.u32  }
0x4b: {  	s1 =	rddreg [dreg:$0x1];
	p0 =	sne.s32 s2, $0x0  }
0x4c: {  	s3 =	rddreg [dreg:$0x2];
	[bflag:$0x3] =	sbarrier.arrive $0xFFFF;
	s2 =	simm.s32 @!p0 $0x1C02  }
0x4d: {  	[timem:s3], [sflag:s2] =	dma.local @!p0 [hbm:s0], s1  }
0x4e: {  	s0 =	simm.s32 @!p0 $0x2  }
0x4f: {  	_ =	swait.ge @!p0 [sflag:s0], s1  }
0x50: {  	s1 =	ssub.s32 @!p0 $0x0, s1;
	[sflag:s0] =	ssyncset.done @!p0 $0x0  }
0x51: {  	[sflag:s0] =	ssyncadd.s32 @!p0 s1  }
0x52: {  	[bflag:$0x3] =	sbarrier.arrive $0xFFFF  }
0x53: {  	_ =	shalt  }

</sc_bundles>
